<compile_context>
chip_gen: v7x
topology: tpu7x:2x2x1
jax: 0.10.2.dev20260603
libtpu: 0.0.44.dev20260713+nightly
codegen_flags: <defaults>
</compile_context>

<pallas_src>
import functools

import jax
import jax.numpy as jnp
from jax import lax
from jax.experimental import pallas as pl
from jax.experimental.pallas import tpu as pltpu
from jax.experimental.pallas import tpu_sc as plsc

MAX_SEQ_LEN = 200
D_MODEL = 64

NUM_CORES = 2
NUM_SUBCORES = 16
NUM_WORKERS = NUM_CORES * NUM_SUBCORES

LANES = 128
NBUF = 4


def _pos_encoding(seq_len, d_model):
    pos = jnp.arange(seq_len, dtype=jnp.float32)[:, None]
    exp = jnp.arange(0, d_model, 2, dtype=jnp.float32)
    stop = d_model // 2
    pe = jnp.zeros((seq_len, d_model), jnp.float32)
    pe = pe.at[:, 0::2].set(jnp.sin(pos / 10000 ** (exp / d_model)))
    pe = pe.at[:, 1::2].set(jnp.cos(pos / 10000 ** (exp[:stop] / d_model)))
    return pe


@jax.jit
def _embed(xv, table, pe):
    st_n, bt_n, ss_n, _ = xv.shape
    seq_len = st_n * ss_n
    n_tiles = seq_len * bt_n
    per_w = n_tiles // NUM_WORKERS
    n_outer = per_w // NBUF
    dt_n = D_MODEL // 8
    mesh = plsc.VectorSubcoreMesh(core_axis_name="c", subcore_axis_name="s")

    @functools.partial(
        pl.kernel,
        mesh=mesh,
        out_type=jax.ShapeDtypeStruct(
            (seq_len, dt_n, bt_n, 8, LANES), jnp.float32
        ),
        scratch_types=(
            [pltpu.VMEM((LANES,), jnp.int32)] * NBUF
            + [pltpu.VMEM((LANES, D_MODEL), jnp.float32)] * NBUF
            + [pltpu.VMEM((dt_n, 8, LANES + 1), jnp.float32)] * NBUF
            + [pltpu.VMEM((MAX_SEQ_LEN, D_MODEL), jnp.float32)]
            + [pltpu.SemaphoreType.DMA] * (3 * NBUF)
        ),
        compiler_params=pltpu.CompilerParams(
            use_tc_tiling_on_sc=False, needs_layout_passes=False
        ),
    )
    def k(xv_hbm, tab_hbm, pe_hbm, out_hbm, *scratch):
        idx = list(scratch[0:NBUF])
        rows = list(scratch[NBUF:2 * NBUF])
        tr = list(scratch[2 * NBUF:3 * NBUF])
        pe_v = scratch[3 * NBUF]
        sg = list(scratch[3 * NBUF + 1:3 * NBUF + 1 + NBUF])
        so = list(scratch[3 * NBUF + 1 + NBUF:3 * NBUF + 1 + 2 * NBUF])
        si = list(scratch[3 * NBUF + 1 + 2 * NBUF:3 * NBUF + 1 + 3 * NBUF])

        wid = lax.axis_index("s") * NUM_CORES + lax.axis_index("c")
        base = wid * per_w

        pltpu.sync_copy(pe_hbm, pe_v)

        lane_iota = lax.iota(jnp.int32, 16)
        dt_idx = [
            lax.shift_right_logical(lane_iota + (g * 16), 3)
            for g in range(D_MODEL // 16)
        ]
        ds_idx = [
            lax.bitwise_and(lane_iota + (g * 16), 7)
            for g in range(D_MODEL // 16)
        ]

        def coords(t):
            g = base + t
            s = lax.shift_right_logical(g, 5)
            bt = lax.bitwise_and(g, bt_n - 1)
            return s, bt

        def fire_idx(t, b):
            s, bt = coords(t)
            pltpu.async_copy(
                xv_hbm.at[lax.shift_right_logical(s, 3), bt,
                          lax.bitwise_and(s, ss_n - 1)],
                idx[b], si[b],
            )

        def wait_idx(b):
            pltpu.make_async_copy(xv_hbm.at[0, 0, 0], idx[b], si[b]).wait()

        def fire_gather(b):
            pltpu.async_copy(tab_hbm.at[idx[b]], rows[b], sg[b])

        def wait_gather(b):
            pltpu.make_async_copy(tab_hbm.at[idx[b]], rows[b], sg[b]).wait()

        def fire_out(s, bt, b):
            pltpu.async_copy(
                tr[b].at[:, :, pl.ds(0, LANES)], out_hbm.at[s, :, bt], so[b]
            )

        def wait_out(b):
            pltpu.make_async_copy(
                tr[b].at[:, :, pl.ds(0, LANES)], out_hbm.at[0, :, 0], so[b]
            ).wait()

        def transpose_add(s, b):
            pe_g = [pe_v[s, pl.ds(g * 16, 16)] for g in range(D_MODEL // 16)]

            @plsc.parallel_loop(0, LANES, step=1, unroll=4)
            def _(tok):
                col = jnp.full((16,), 0, jnp.int32) + tok
                for g in range(D_MODEL // 16):
                    val = rows[b][tok, pl.ds(g * 16, 16)] + pe_g[g]
                    plsc.store_scatter(
                        tr[b], [dt_idx[g], ds_idx[g], col], val
                    )

        for b in range(NBUF - 1):
            fire_idx(b, b)
        for b in range(NBUF - 1):
            wait_idx(b)
            fire_gather(b)
        fire_idx(NBUF - 1, NBUF - 1)

        def outer(go, carry):
            for b in range(NBUF):
                t = go * NBUF + b
                b3 = (b + NBUF - 1) % NBUF
                s, bt = coords(t)
                wait_gather(b)

                def prefetch():
                    wait_idx(b3)
                    fire_gather(b3)

                def prefetch_idx():
                    fire_idx(t + NBUF, b)

                if b == 0:
                    prefetch()

                    @pl.when(go < n_outer - 1)
                    def _():
                        prefetch_idx()
                else:
                    @pl.when(go < n_outer - 1)
                    def _():
                        prefetch()
                        prefetch_idx()

                @pl.when(go > 0)
                def _():
                    wait_out(b)

                transpose_add(s, b)
                fire_out(s, bt, b)
            return carry

        lax.fori_loop(0, n_outer, outer, 0)
        for b in range(NBUF):
            wait_out(b)

    return k(xv, table, pe)


def kernel(x, table):
    batch, seq_len = x.shape
    pe = _pos_encoding(seq_len, D_MODEL)
    xv = (
        x.astype(jnp.int32).T
        .reshape(seq_len // 8, 8, batch // LANES, LANES)
        .transpose(0, 2, 1, 3)
    )
    out5 = _embed(xv, table, pe)
    out = (
        out5.transpose(2, 4, 0, 1, 3)
        .reshape(batch, seq_len, D_MODEL)
    )
    return out

# --- scband reference (transcript-rebuilt; emitter-appended) ---
"""Pipeline reference for scband-input-embedding-58239756534073 (READ-ONLY COPY).

The authoritative reference and input builder live on the scoring server;
editing this copy changes nothing except your own understanding.
"""

import jax, jax.numpy as jnp
import numpy as np

VOCAB_SIZE = 100000
MAX_SEQ_LEN = 200
D_MODEL = 64


def make_pos_encoding(max_seq_len, d_model):
    pos = jnp.arange(max_seq_len, dtype=jnp.float32)[:, None]
    exp = jnp.arange(0, d_model, 2, dtype=jnp.float32)
    stop = d_model // 2
    pe = jnp.zeros((max_seq_len, d_model), dtype=jnp.float32)
    pe = pe.at[:, 0::2].set(jnp.sin(pos / 10000 ** (exp / d_model)))
    pe = pe.at[:, 1::2].set(jnp.cos(pos / 10000 ** (exp[:stop] / d_model)))
    return pe


def setup_inputs(seed: int = 0) -> dict:
    key = jax.random.key(seed)
    k_idx, k_tab = jax.random.split(key)
    x = jax.random.randint(k_idx, (4096, 200), 0, VOCAB_SIZE, dtype=jnp.int64 if jax.config.jax_enable_x64 else jnp.int32)
    table = jax.random.normal(k_tab, (VOCAB_SIZE, D_MODEL), dtype=jnp.float32)
    return {"x": x, "table": table}


def reference(x, table):
    # TokenEmbedding: gather rows of the embedding table
    tok = jnp.take(table, x, axis=0)  # [B, S, d_model]
    # PositionalEncoding: fixed sinusoidal encoding sliced to seq_len
    seq_len = x.shape[1]
    pe = make_pos_encoding(MAX_SEQ_LEN, D_MODEL)[:seq_len]  # [S, d_model]
    return tok + pe  # broadcast over batch

if __name__ == "__main__":
    import jax
    _d = setup_inputs()
    print(jax.jit(kernel)(*tuple(_d.values())))

</pallas_src>

<mosaic_0001>
#map = affine_map<(d0, d1) -> (0, 0, 0, 0)>
#map1 = affine_map<(d0, d1) -> (0, 0)>
#map2 = affine_map<(d0, d1) -> (0, 0, 0, 0, 0)>
module attributes {stable_mosaic.version = 14 : i64} {
  func.func @k(%arg0: i32, %arg1: i32, %arg2: memref<25x32x8x128xi32, #tpu.memory_space<hbm>>, %arg3: memref<100000x64xf32, #tpu.memory_space<hbm>>, %arg4: memref<200x64xf32, #tpu.memory_space<hbm>>, %arg5: memref<200x8x32x8x128xf32, #tpu.memory_space<hbm>>, %arg6: memref<128xi32, #tpu.memory_space<vmem>>, %arg7: memref<128xi32, #tpu.memory_space<vmem>>, %arg8: memref<128xi32, #tpu.memory_space<vmem>>, %arg9: memref<128xi32, #tpu.memory_space<vmem>>, %arg10: memref<128x64xf32, #tpu.memory_space<vmem>>, %arg11: memref<128x64xf32, #tpu.memory_space<vmem>>, %arg12: memref<128x64xf32, #tpu.memory_space<vmem>>, %arg13: memref<128x64xf32, #tpu.memory_space<vmem>>, %arg14: memref<8x8x129xf32, #tpu.memory_space<vmem>>, %arg15: memref<8x8x129xf32, #tpu.memory_space<vmem>>, %arg16: memref<8x8x129xf32, #tpu.memory_space<vmem>>, %arg17: memref<8x8x129xf32, #tpu.memory_space<vmem>>, %arg18: memref<200x64xf32, #tpu.memory_space<vmem>>, %arg19: memref<!tpu.dma_semaphore, #tpu.memory_space<semaphore_mem>>, %arg20: memref<!tpu.dma_semaphore, #tpu.memory_space<semaphore_mem>>, %arg21: memref<!tpu.dma_semaphore, #tpu.memory_space<semaphore_mem>>, %arg22: memref<!tpu.dma_semaphore, #tpu.memory_space<semaphore_mem>>, %arg23: memref<!tpu.dma_semaphore, #tpu.memory_space<semaphore_mem>>, %arg24: memref<!tpu.dma_semaphore, #tpu.memory_space<semaphore_mem>>, %arg25: memref<!tpu.dma_semaphore, #tpu.memory_space<semaphore_mem>>, %arg26: memref<!tpu.dma_semaphore, #tpu.memory_space<semaphore_mem>>, %arg27: memref<!tpu.dma_semaphore, #tpu.memory_space<semaphore_mem>>, %arg28: memref<!tpu.dma_semaphore, #tpu.memory_space<semaphore_mem>>, %arg29: memref<!tpu.dma_semaphore, #tpu.memory_space<semaphore_mem>>, %arg30: memref<!tpu.dma_semaphore, #tpu.memory_space<semaphore_mem>>) attributes {dimension_semantics = [#tpu.dimension_semantics<core_parallel>, #tpu.dimension_semantics<subcore_parallel>], iteration_bounds = array<i64: 2, 16>, scalar_prefetch = 0 : i64, scratch_operands = 25 : i64, tpu.core_type = #tpu.core_type<sc_vector_subcore>, window_params = [{transform_indices = #map}, {transform_indices = #map1}, {transform_indices = #map1}, {transform_indices = #map2}]} {
    %mul3A = arith.constant 2 : i32
    %mul3A_0 = arith.muli %arg1, %mul3A : i32
    %add3A = arith.addi %mul3A_0, %arg0 : i32
    %mul3A_1 = arith.constant 200 : i32
    %mul3A_2 = arith.muli %add3A, %mul3A_1 : i32
    "tpu.region"() ({
      %run_scoped3A = tpu.sem_alloc : memref<!tpu.dma_semaphore, #tpu.memory_space<semaphore_mem>>
      tpu.enqueue_dma source(%arg4 : memref<200x64xf32, #tpu.memory_space<hbm>>) target(%arg18 : memref<200x64xf32, #tpu.memory_space<vmem>>) target_semaphore(%run_scoped3A : memref<!tpu.dma_semaphore, #tpu.memory_space<semaphore_mem>>)
      tpu.wait_dma2 semaphore(%run_scoped3A : memref<!tpu.dma_semaphore, #tpu.memory_space<semaphore_mem>>) src(%arg4 : memref<200x64xf32, #tpu.memory_space<hbm>>) dst(%arg18 : memref<200x64xf32, #tpu.memory_space<vmem>>)
      tpu.yield
    }) : () -> ()
    %iota3A = tpu.iota {dimensions = array<i32: 0>} : vector<16xi32>
    %add3A_3 = arith.constant 0 : i32
    %add3A_4 = vector.broadcast %add3A_3 : i32 to vector<16xi32>
    %add3A_5 = arith.addi %iota3A, %add3A_4 : vector<16xi32>
    %shift_right_logical3A = arith.constant 3 : i32
    %shift_right_logical3A_6 = vector.broadcast %shift_right_logical3A : i32 to vector<16xi32>
    %shift_right_logical3A_7 = arith.shrui %add3A_5, %shift_right_logical3A_6 : vector<16xi32>
    %add3A_8 = arith.constant 16 : i32
    %add3A_9 = vector.broadcast %add3A_8 : i32 to vector<16xi32>
    %add3A_10 = arith.addi %iota3A, %add3A_9 : vector<16xi32>
    %shift_right_logical3A_11 = arith.constant 3 : i32
    %shift_right_logical3A_12 = vector.broadcast %shift_right_logical3A_11 : i32 to vector<16xi32>
    %shift_right_logical3A_13 = arith.shrui %add3A_10, %shift_right_logical3A_12 : vector<16xi32>
    %add3A_14 = arith.constant 32 : i32
    %add3A_15 = vector.broadcast %add3A_14 : i32 to vector<16xi32>
    %add3A_16 = arith.addi %iota3A, %add3A_15 : vector<16xi32>
    %shift_right_logical3A_17 = arith.constant 3 : i32
    %shift_right_logical3A_18 = vector.broadcast %shift_right_logical3A_17 : i32 to vector<16xi32>
    %shift_right_logical3A_19 = arith.shrui %add3A_16, %shift_right_logical3A_18 : vector<16xi32>
    %add3A_20 = arith.constant 48 : i32
    %add3A_21 = vector.broadcast %add3A_20 : i32 to vector<16xi32>
    %add3A_22 = arith.addi %iota3A, %add3A_21 : vector<16xi32>
    %shift_right_logical3A_23 = arith.constant 3 : i32
    %shift_right_logical3A_24 = vector.broadcast %shift_right_logical3A_23 : i32 to vector<16xi32>
    %shift_right_logical3A_25 = arith.shrui %add3A_22, %shift_right_logical3A_24 : vector<16xi32>
    %add3A_26 = arith.constant 0 : i32
    %add3A_27 = vector.broadcast %add3A_26 : i32 to vector<16xi32>
    %add3A_28 = arith.addi %iota3A, %add3A_27 : vector<16xi32>
    %and3A = arith.constant 7 : i32
    %and3A_29 = vector.broadcast %and3A : i32 to vector<16xi32>
    %and3A_30 = arith.andi %add3A_28, %and3A_29 : vector<16xi32>
    %add3A_31 = arith.constant 16 : i32
    %add3A_32 = vector.broadcast %add3A_31 : i32 to vector<16xi32>
    %add3A_33 = arith.addi %iota3A, %add3A_32 : vector<16xi32>
    %and3A_34 = arith.constant 7 : i32
    %and3A_35 = vector.broadcast %and3A_34 : i32 to vector<16xi32>
    %and3A_36 = arith.andi %add3A_33, %and3A_35 : vector<16xi32>
    %add3A_37 = arith.constant 32 : i32
    %add3A_38 = vector.broadcast %add3A_37 : i32 to vector<16xi32>
    %add3A_39 = arith.addi %iota3A, %add3A_38 : vector<16xi32>
    %and3A_40 = arith.constant 7 : i32
    %and3A_41 = vector.broadcast %and3A_40 : i32 to vector<16xi32>
    %and3A_42 = arith.andi %add3A_39, %and3A_41 : vector<16xi32>
    %add3A_43 = arith.constant 48 : i32
    %add3A_44 = vector.broadcast %add3A_43 : i32 to vector<16xi32>
    %add3A_45 = arith.addi %iota3A, %add3A_44 : vector<16xi32>
    %and3A_46 = arith.constant 7 : i32
    %and3A_47 = vector.broadcast %and3A_46 : i32 to vector<16xi32>
    %and3A_48 = arith.andi %add3A_45, %and3A_47 : vector<16xi32>
    %add3A_49 = arith.constant 0 : i32
    %add3A_50 = arith.addi %mul3A_2, %add3A_49 : i32
    %shift_right_logical3A_51 = arith.constant 5 : i32
    %shift_right_logical3A_52 = arith.shrui %add3A_50, %shift_right_logical3A_51 : i32
    %and3A_53 = arith.constant 31 : i32
    %and3A_54 = arith.andi %add3A_50, %and3A_53 : i32
    %shift_right_logical3A_55 = arith.constant 3 : i32
    %shift_right_logical3A_56 = arith.shrui %shift_right_logical3A_52, %shift_right_logical3A_55 : i32
    %and3A_57 = arith.constant 7 : i32
    %and3A_58 = arith.andi %shift_right_logical3A_52, %and3A_57 : i32
    %dma_start3A = arith.constant 0 : i32
    %dma_start3A_59 = tpu.memref_slice %arg2[%shift_right_logical3A_56, %and3A_54, %and3A_58, %dma_start3A] : memref<25x32x8x128xi32, #tpu.memory_space<hbm>> -> memref<1x1x1x128xi32, #tpu.memory_space<hbm>>
    %dma_start3A_60 = tpu.memref_squeeze %dma_start3A_59 : memref<1x1x1x128xi32, #tpu.memory_space<hbm>> -> memref<128xi32, #tpu.memory_space<hbm>>
    %dma_start3A_61 = arith.constant 0 : i32
    %dma_start3A_62 = tpu.memref_slice %arg2[%shift_right_logical3A_56, %and3A_54, %and3A_58, %dma_start3A_61] : memref<25x32x8x128xi32, #tpu.memory_space<hbm>> -> memref<1x1x1x128xi32, #tpu.memory_space<hbm>>
    %dma_start3A_63 = tpu.memref_squeeze %dma_start3A_62 : memref<1x1x1x128xi32, #tpu.memory_space<hbm>> -> memref<128xi32, #tpu.memory_space<hbm>>
    tpu.enqueue_dma source(%dma_start3A_63 : memref<128xi32, #tpu.memory_space<hbm>>) target(%arg6 : memref<128xi32, #tpu.memory_space<vmem>>) target_semaphore(%arg27 : memref<!tpu.dma_semaphore, #tpu.memory_space<semaphore_mem>>)
    %add3A_64 = arith.constant 1 : i32
    %add3A_65 = arith.addi %mul3A_2, %add3A_64 : i32
    %shift_right_logical3A_66 = arith.constant 5 : i32
    %shift_right_logical3A_67 = arith.shrui %add3A_65, %shift_right_logical3A_66 : i32
    %and3A_68 = arith.constant 31 : i32
    %and3A_69 = arith.andi %add3A_65, %and3A_68 : i32
    %shift_right_logical3A_70 = arith.constant 3 : i32
    %shift_right_logical3A_71 = arith.shrui %shift_right_logical3A_67, %shift_right_logical3A_70 : i32
    %and3A_72 = arith.constant 7 : i32
    %and3A_73 = arith.andi %shift_right_logical3A_67, %and3A_72 : i32
    %dma_start3A_74 = arith.constant 0 : i32
    %dma_start3A_75 = tpu.memref_slice %arg2[%shift_right_logical3A_71, %and3A_69, %and3A_73, %dma_start3A_74] : memref<25x32x8x128xi32, #tpu.memory_space<hbm>> -> memref<1x1x1x128xi32, #tpu.memory_space<hbm>>
    %dma_start3A_76 = tpu.memref_squeeze %dma_start3A_75 : memref<1x1x1x128xi32, #tpu.memory_space<hbm>> -> memref<128xi32, #tpu.memory_space<hbm>>
    %dma_start3A_77 = arith.constant 0 : i32
    %dma_start3A_78 = tpu.memref_slice %arg2[%shift_right_logical3A_71, %and3A_69, %and3A_73, %dma_start3A_77] : memref<25x32x8x128xi32, #tpu.memory_space<hbm>> -> memref<1x1x1x128xi32, #tpu.memory_space<hbm>>
    %dma_start3A_79 = tpu.memref_squeeze %dma_start3A_78 : memref<1x1x1x128xi32, #tpu.memory_space<hbm>> -> memref<128xi32, #tpu.memory_space<hbm>>
    tpu.enqueue_dma source(%dma_start3A_79 : memref<128xi32, #tpu.memory_space<hbm>>) target(%arg7 : memref<128xi32, #tpu.memory_space<vmem>>) target_semaphore(%arg28 : memref<!tpu.dma_semaphore, #tpu.memory_space<semaphore_mem>>)
    %add3A_80 = arith.constant 2 : i32
    %add3A_81 = arith.addi %mul3A_2, %add3A_80 : i32
    %shift_right_logical3A_82 = arith.constant 5 : i32
    %shift_right_logical3A_83 = arith.shrui %add3A_81, %shift_right_logical3A_82 : i32
    %and3A_84 = arith.constant 31 : i32
    %and3A_85 = arith.andi %add3A_81, %and3A_84 : i32
    %shift_right_logical3A_86 = arith.constant 3 : i32
    %shift_right_logical3A_87 = arith.shrui %shift_right_logical3A_83, %shift_right_logical3A_86 : i32
    %and3A_88 = arith.constant 7 : i32
    %and3A_89 = arith.andi %shift_right_logical3A_83, %and3A_88 : i32
    %dma_start3A_90 = arith.constant 0 : i32
    %dma_start3A_91 = tpu.memref_slice %arg2[%shift_right_logical3A_87, %and3A_85, %and3A_89, %dma_start3A_90] : memref<25x32x8x128xi32, #tpu.memory_space<hbm>> -> memref<1x1x1x128xi32, #tpu.memory_space<hbm>>
    %dma_start3A_92 = tpu.memref_squeeze %dma_start3A_91 : memref<1x1x1x128xi32, #tpu.memory_space<hbm>> -> memref<128xi32, #tpu.memory_space<hbm>>
    %dma_start3A_93 = arith.constant 0 : i32
    %dma_start3A_94 = tpu.memref_slice %arg2[%shift_right_logical3A_87, %and3A_85, %and3A_89, %dma_start3A_93] : memref<25x32x8x128xi32, #tpu.memory_space<hbm>> -> memref<1x1x1x128xi32, #tpu.memory_space<hbm>>
    %dma_start3A_95 = tpu.memref_squeeze %dma_start3A_94 : memref<1x1x1x128xi32, #tpu.memory_space<hbm>> -> memref<128xi32, #tpu.memory_space<hbm>>
    tpu.enqueue_dma source(%dma_start3A_95 : memref<128xi32, #tpu.memory_space<hbm>>) target(%arg8 : memref<128xi32, #tpu.memory_space<vmem>>) target_semaphore(%arg29 : memref<!tpu.dma_semaphore, #tpu.memory_space<semaphore_mem>>)
    %dma_wait3A = arith.constant 0 : i32
    %dma_wait3A_96 = arith.constant 0 : i32
    %dma_wait3A_97 = arith.constant 0 : i32
    %dma_wait3A_98 = arith.constant 0 : i32
    %dma_wait3A_99 = tpu.memref_slice %arg2[%dma_wait3A, %dma_wait3A_96, %dma_wait3A_97, %dma_wait3A_98] : memref<25x32x8x128xi32, #tpu.memory_space<hbm>> -> memref<1x1x1x128xi32, #tpu.memory_space<hbm>>
    %dma_wait3A_100 = tpu.memref_squeeze %dma_wait3A_99 : memref<1x1x1x128xi32, #tpu.memory_space<hbm>> -> memref<128xi32, #tpu.memory_space<hbm>>
    %dma_wait3A_101 = arith.constant 0 : i32
    %dma_wait3A_102 = tpu.memref_slice %arg2[%dma_wait3A, %dma_wait3A_96, %dma_wait3A_97, %dma_wait3A_101] : memref<25x32x8x128xi32, #tpu.memory_space<hbm>> -> memref<1x1x1x128xi32, #tpu.memory_space<hbm>>
    %dma_wait3A_103 = tpu.memref_squeeze %dma_wait3A_102 : memref<1x1x1x128xi32, #tpu.memory_space<hbm>> -> memref<128xi32, #tpu.memory_space<hbm>>
    tpu.wait_dma2 semaphore(%arg27 : memref<!tpu.dma_semaphore, #tpu.memory_space<semaphore_mem>>) src(%dma_wait3A_103 : memref<128xi32, #tpu.memory_space<hbm>>) dst(%arg6 : memref<128xi32, #tpu.memory_space<vmem>>)
    %dma_start3A_104 = arith.constant 0 : i32
    %dma_start3A_105 = arith.constant 0 : i32
    %dma_start3A_106 = tpu.memref_slice %arg3[%dma_start3A_104, %dma_start3A_105] : memref<100000x64xf32, #tpu.memory_space<hbm>> -> memref<100000x64xf32, #tpu.memory_space<hbm>>
    tpu.enqueue_indirect_dma source(%dma_start3A_106 : memref<100000x64xf32, #tpu.memory_space<hbm>>) target(%arg10 : memref<128x64xf32, #tpu.memory_space<vmem>>) offsets(%arg6 : memref<128xi32, #tpu.memory_space<vmem>>) semaphore(%arg19 : memref<!tpu.dma_semaphore, #tpu.memory_space<semaphore_mem>>)
    %dma_wait3A_107 = arith.constant 0 : i32
    %dma_wait3A_108 = arith.constant 0 : i32
    %dma_wait3A_109 = arith.constant 0 : i32
    %dma_wait3A_110 = arith.constant 0 : i32
    %dma_wait3A_111 = tpu.memref_slice %arg2[%dma_wait3A_107, %dma_wait3A_108, %dma_wait3A_109, %dma_wait3A_110] : memref<25x32x8x128xi32, #tpu.memory_space<hbm>> -> memref<1x1x1x128xi32, #tpu.memory_space<hbm>>
    %dma_wait3A_112 = tpu.memref_squeeze %dma_wait3A_111 : memref<1x1x1x128xi32, #tpu.memory_space<hbm>> -> memref<128xi32, #tpu.memory_space<hbm>>
    %dma_wait3A_113 = arith.constant 0 : i32
    %dma_wait3A_114 = tpu.memref_slice %arg2[%dma_wait3A_107, %dma_wait3A_108, %dma_wait3A_109, %dma_wait3A_113] : memref<25x32x8x128xi32, #tpu.memory_space<hbm>> -> memref<1x1x1x128xi32, #tpu.memory_space<hbm>>
    %dma_wait3A_115 = tpu.memref_squeeze %dma_wait3A_114 : memref<1x1x1x128xi32, #tpu.memory_space<hbm>> -> memref<128xi32, #tpu.memory_space<hbm>>
    tpu.wait_dma2 semaphore(%arg28 : memref<!tpu.dma_semaphore, #tpu.memory_space<semaphore_mem>>) src(%dma_wait3A_115 : memref<128xi32, #tpu.memory_space<hbm>>) dst(%arg7 : memref<128xi32, #tpu.memory_space<vmem>>)
    %dma_start3A_116 = arith.constant 0 : i32
    %dma_start3A_117 = arith.constant 0 : i32
    %dma_start3A_118 = tpu.memref_slice %arg3[%dma_start3A_116, %dma_start3A_117] : memref<100000x64xf32, #tpu.memory_space<hbm>> -> memref<100000x64xf32, #tpu.memory_space<hbm>>
    tpu.enqueue_indirect_dma source(%dma_start3A_118 : memref<100000x64xf32, #tpu.memory_space<hbm>>) target(%arg11 : memref<128x64xf32, #tpu.memory_space<vmem>>) offsets(%arg7 : memref<128xi32, #tpu.memory_space<vmem>>) semaphore(%arg20 : memref<!tpu.dma_semaphore, #tpu.memory_space<semaphore_mem>>)
    %dma_wait3A_119 = arith.constant 0 : i32
    %dma_wait3A_120 = arith.constant 0 : i32
    %dma_wait3A_121 = arith.constant 0 : i32
    %dma_wait3A_122 = arith.constant 0 : i32
    %dma_wait3A_123 = tpu.memref_slice %arg2[%dma_wait3A_119, %dma_wait3A_120, %dma_wait3A_121, %dma_wait3A_122] : memref<25x32x8x128xi32, #tpu.memory_space<hbm>> -> memref<1x1x1x128xi32, #tpu.memory_space<hbm>>
    %dma_wait3A_124 = tpu.memref_squeeze %dma_wait3A_123 : memref<1x1x1x128xi32, #tpu.memory_space<hbm>> -> memref<128xi32, #tpu.memory_space<hbm>>
    %dma_wait3A_125 = arith.constant 0 : i32
    %dma_wait3A_126 = tpu.memref_slice %arg2[%dma_wait3A_119, %dma_wait3A_120, %dma_wait3A_121, %dma_wait3A_125] : memref<25x32x8x128xi32, #tpu.memory_space<hbm>> -> memref<1x1x1x128xi32, #tpu.memory_space<hbm>>
    %dma_wait3A_127 = tpu.memref_squeeze %dma_wait3A_126 : memref<1x1x1x128xi32, #tpu.memory_space<hbm>> -> memref<128xi32, #tpu.memory_space<hbm>>
    tpu.wait_dma2 semaphore(%arg29 : memref<!tpu.dma_semaphore, #tpu.memory_space<semaphore_mem>>) src(%dma_wait3A_127 : memref<128xi32, #tpu.memory_space<hbm>>) dst(%arg8 : memref<128xi32, #tpu.memory_space<vmem>>)
    %dma_start3A_128 = arith.constant 0 : i32
    %dma_start3A_129 = arith.constant 0 : i32
    %dma_start3A_130 = tpu.memref_slice %arg3[%dma_start3A_128, %dma_start3A_129] : memref<100000x64xf32, #tpu.memory_space<hbm>> -> memref<100000x64xf32, #tpu.memory_space<hbm>>
    tpu.enqueue_indirect_dma source(%dma_start3A_130 : memref<100000x64xf32, #tpu.memory_space<hbm>>) target(%arg12 : memref<128x64xf32, #tpu.memory_space<vmem>>) offsets(%arg8 : memref<128xi32, #tpu.memory_space<vmem>>) semaphore(%arg21 : memref<!tpu.dma_semaphore, #tpu.memory_space<semaphore_mem>>)
    %add3A_131 = arith.constant 3 : i32
    %add3A_132 = arith.addi %mul3A_2, %add3A_131 : i32
    %shift_right_logical3A_133 = arith.constant 5 : i32
    %shift_right_logical3A_134 = arith.shrui %add3A_132, %shift_right_logical3A_133 : i32
    %and3A_135 = arith.constant 31 : i32
    %and3A_136 = arith.andi %add3A_132, %and3A_135 : i32
    %shift_right_logical3A_137 = arith.constant 3 : i32
    %shift_right_logical3A_138 = arith.shrui %shift_right_logical3A_134, %shift_right_logical3A_137 : i32
    %and3A_139 = arith.constant 7 : i32
    %and3A_140 = arith.andi %shift_right_logical3A_134, %and3A_139 : i32
    %dma_start3A_141 = arith.constant 0 : i32
    %dma_start3A_142 = tpu.memref_slice %arg2[%shift_right_logical3A_138, %and3A_136, %and3A_140, %dma_start3A_141] : memref<25x32x8x128xi32, #tpu.memory_space<hbm>> -> memref<1x1x1x128xi32, #tpu.memory_space<hbm>>
    %dma_start3A_143 = tpu.memref_squeeze %dma_start3A_142 : memref<1x1x1x128xi32, #tpu.memory_space<hbm>> -> memref<128xi32, #tpu.memory_space<hbm>>
    %dma_start3A_144 = arith.constant 0 : i32
    %dma_start3A_145 = tpu.memref_slice %arg2[%shift_right_logical3A_138, %and3A_136, %and3A_140, %dma_start3A_144] : memref<25x32x8x128xi32, #tpu.memory_space<hbm>> -> memref<1x1x1x128xi32, #tpu.memory_space<hbm>>
    %dma_start3A_146 = tpu.memref_squeeze %dma_start3A_145 : memref<1x1x1x128xi32, #tpu.memory_space<hbm>> -> memref<128xi32, #tpu.memory_space<hbm>>
    tpu.enqueue_dma source(%dma_start3A_146 : memref<128xi32, #tpu.memory_space<hbm>>) target(%arg9 : memref<128xi32, #tpu.memory_space<vmem>>) target_semaphore(%arg30 : memref<!tpu.dma_semaphore, #tpu.memory_space<semaphore_mem>>)
    %scan3A = arith.constant 0 : i32
    %scan3A_147 = arith.constant 0 : i32
    %scan3A_148 = arith.constant 50 : i32
    %scan3A_149 = arith.addi %scan3A_147, %scan3A_148 : i32
    %scan3A_150 = arith.constant 1 : i32
    scf.for %scan3A_232 = %scan3A_147 to %scan3A_149 step %scan3A_150  : i32 {
      %mul3A_233 = arith.constant 4 : i32
      %mul3A_234 = arith.muli %scan3A_232, %mul3A_233 : i32
      %add3A_235 = arith.constant 0 : i32
      %add3A_236 = arith.addi %mul3A_234, %add3A_235 : i32
      %add3A_237 = arith.addi %mul3A_2, %add3A_236 : i32
      %shift_right_logical3A_238 = arith.constant 5 : i32
      %shift_right_logical3A_239 = arith.shrui %add3A_237, %shift_right_logical3A_238 : i32
      %and3A_240 = arith.constant 31 : i32
      %and3A_241 = arith.andi %add3A_237, %and3A_240 : i32
      %dma_wait3A_242 = arith.constant 0 : i32
      %dma_wait3A_243 = arith.constant 0 : i32
      %dma_wait3A_244 = tpu.memref_slice %arg3[%dma_wait3A_242, %dma_wait3A_243] : memref<100000x64xf32, #tpu.memory_space<hbm>> -> memref<100000x64xf32, #tpu.memory_space<hbm>>
      tpu.wait_indirect_dma semaphore(%arg19 : memref<!tpu.dma_semaphore, #tpu.memory_space<semaphore_mem>>) src(%dma_wait3A_244 : memref<100000x64xf32, #tpu.memory_space<hbm>>) dst(%arg10 : memref<128x64xf32, #tpu.memory_space<vmem>>)
      %dma_wait3A_245 = arith.constant 0 : i32
      %dma_wait3A_246 = arith.constant 0 : i32
      %dma_wait3A_247 = arith.constant 0 : i32
      %dma_wait3A_248 = arith.constant 0 : i32
      %dma_wait3A_249 = tpu.memref_slice %arg2[%dma_wait3A_245, %dma_wait3A_246, %dma_wait3A_247, %dma_wait3A_248] : memref<25x32x8x128xi32, #tpu.memory_space<hbm>> -> memref<1x1x1x128xi32, #tpu.memory_space<hbm>>
      %dma_wait3A_250 = tpu.memref_squeeze %dma_wait3A_249 : memref<1x1x1x128xi32, #tpu.memory_space<hbm>> -> memref<128xi32, #tpu.memory_space<hbm>>
      %dma_wait3A_251 = arith.constant 0 : i32
      %dma_wait3A_252 = tpu.memref_slice %arg2[%dma_wait3A_245, %dma_wait3A_246, %dma_wait3A_247, %dma_wait3A_251] : memref<25x32x8x128xi32, #tpu.memory_space<hbm>> -> memref<1x1x1x128xi32, #tpu.memory_space<hbm>>
      %dma_wait3A_253 = tpu.memref_squeeze %dma_wait3A_252 : memref<1x1x1x128xi32, #tpu.memory_space<hbm>> -> memref<128xi32, #tpu.memory_space<hbm>>
      tpu.wait_dma2 semaphore(%arg30 : memref<!tpu.dma_semaphore, #tpu.memory_space<semaphore_mem>>) src(%dma_wait3A_253 : memref<128xi32, #tpu.memory_space<hbm>>) dst(%arg9 : memref<128xi32, #tpu.memory_space<vmem>>)
      %dma_start3A_254 = arith.constant 0 : i32
      %dma_start3A_255 = arith.constant 0 : i32
      %dma_start3A_256 = tpu.memref_slice %arg3[%dma_start3A_254, %dma_start3A_255] : memref<100000x64xf32, #tpu.memory_space<hbm>> -> memref<100000x64xf32, #tpu.memory_space<hbm>>
      tpu.enqueue_indirect_dma source(%dma_start3A_256 : memref<100000x64xf32, #tpu.memory_space<hbm>>) target(%arg13 : memref<128x64xf32, #tpu.memory_space<vmem>>) offsets(%arg9 : memref<128xi32, #tpu.memory_space<vmem>>) semaphore(%arg22 : memref<!tpu.dma_semaphore, #tpu.memory_space<semaphore_mem>>)
      %lt3A = arith.constant 49 : i32
      %lt3A_257 = arith.cmpi slt, %scan3A_232, %lt3A : i32
      %convert_element_type3A = arith.extui %lt3A_257 : i1 to i32
      %cond3A = arith.constant 0 : i32
      %cond3A_258 = arith.cmpi ne, %convert_element_type3A, %cond3A : i32
      scf.if %cond3A_258 {
        %add3A_459 = arith.constant 4 : i32
        %add3A_460 = arith.addi %add3A_236, %add3A_459 : i32
        %add3A_461 = arith.addi %mul3A_2, %add3A_460 : i32
        %shift_right_logical3A_462 = arith.constant 5 : i32
        %shift_right_logical3A_463 = arith.shrui %add3A_461, %shift_right_logical3A_462 : i32
        %and3A_464 = arith.constant 31 : i32
        %and3A_465 = arith.andi %add3A_461, %and3A_464 : i32
        %shift_right_logical3A_466 = arith.constant 3 : i32
        %shift_right_logical3A_467 = arith.shrui %shift_right_logical3A_463, %shift_right_logical3A_466 : i32
        %and3A_468 = arith.constant 7 : i32
        %and3A_469 = arith.andi %shift_right_logical3A_463, %and3A_468 : i32
        %dma_start3A_470 = arith.constant 0 : i32
        %dma_start3A_471 = tpu.memref_slice %arg2[%shift_right_logical3A_467, %and3A_465, %and3A_469, %dma_start3A_470] : memref<25x32x8x128xi32, #tpu.memory_space<hbm>> -> memref<1x1x1x128xi32, #tpu.memory_space<hbm>>
        %dma_start3A_472 = tpu.memref_squeeze %dma_start3A_471 : memref<1x1x1x128xi32, #tpu.memory_space<hbm>> -> memref<128xi32, #tpu.memory_space<hbm>>
        %dma_start3A_473 = arith.constant 0 : i32
        %dma_start3A_474 = tpu.memref_slice %arg2[%shift_right_logical3A_467, %and3A_465, %and3A_469, %dma_start3A_473] : memref<25x32x8x128xi32, #tpu.memory_space<hbm>> -> memref<1x1x1x128xi32, #tpu.memory_space<hbm>>
        %dma_start3A_475 = tpu.memref_squeeze %dma_start3A_474 : memref<1x1x1x128xi32, #tpu.memory_space<hbm>> -> memref<128xi32, #tpu.memory_space<hbm>>
        tpu.enqueue_dma source(%dma_start3A_475 : memref<128xi32, #tpu.memory_space<hbm>>) target(%arg6 : memref<128xi32, #tpu.memory_space<vmem>>) target_semaphore(%arg27 : memref<!tpu.dma_semaphore, #tpu.memory_space<semaphore_mem>>)
      } else {
      }
      %gt3A = arith.constant 0 : i32
      %gt3A_259 = arith.cmpi sgt, %scan3A_232, %gt3A : i32
      %convert_element_type3A_260 = arith.extui %gt3A_259 : i1 to i32
      %cond3A_261 = arith.constant 0 : i32
      %cond3A_262 = arith.cmpi ne, %convert_element_type3A_260, %cond3A_261 : i32
      scf.if %cond3A_262 {
        %dma_wait3A_459 = arith.constant 0 : i32
        %dma_wait3A_460 = arith.constant 0 : i32
        %dma_wait3A_461 = arith.constant 0 : i32
        %dma_wait3A_462 = arith.constant 0 : i32
        %dma_wait3A_463 = arith.constant 0 : i32
        %dma_wait3A_464 = tpu.memref_slice %arg14[%dma_wait3A_461, %dma_wait3A_462, %dma_wait3A_463] : memref<8x8x129xf32, #tpu.memory_space<vmem>> -> memref<8x8x128xf32, #tpu.memory_space<vmem>>
        %dma_wait3A_465 = arith.constant 0 : i32
        %dma_wait3A_466 = arith.constant 0 : i32
        %dma_wait3A_467 = arith.constant 0 : i32
        %dma_wait3A_468 = tpu.memref_slice %arg5[%dma_wait3A_459, %dma_wait3A_465, %dma_wait3A_460, %dma_wait3A_466, %dma_wait3A_467] : memref<200x8x32x8x128xf32, #tpu.memory_space<hbm>> -> memref<1x8x1x8x128xf32, #tpu.memory_space<hbm>>
        %dma_wait3A_469 = tpu.memref_squeeze %dma_wait3A_468 : memref<1x8x1x8x128xf32, #tpu.memory_space<hbm>> -> memref<8x8x128xf32, #tpu.memory_space<hbm>>
        %dma_wait3A_470 = arith.constant 0 : i32
        %dma_wait3A_471 = arith.constant 0 : i32
        %dma_wait3A_472 = arith.constant 0 : i32
        %dma_wait3A_473 = tpu.memref_slice %arg5[%dma_wait3A_459, %dma_wait3A_470, %dma_wait3A_460, %dma_wait3A_471, %dma_wait3A_472] : memref<200x8x32x8x128xf32, #tpu.memory_space<hbm>> -> memref<1x8x1x8x128xf32, #tpu.memory_space<hbm>>
        %dma_wait3A_474 = tpu.memref_squeeze %dma_wait3A_473 : memref<1x8x1x8x128xf32, #tpu.memory_space<hbm>> -> memref<8x8x128xf32, #tpu.memory_space<hbm>>
        %dma_wait3A_475 = arith.constant 0 : i32
        %dma_wait3A_476 = arith.constant 0 : i32
        %dma_wait3A_477 = arith.constant 0 : i32
        %dma_wait3A_478 = tpu.memref_slice %arg14[%dma_wait3A_475, %dma_wait3A_476, %dma_wait3A_477] : memref<8x8x129xf32, #tpu.memory_space<vmem>> -> memref<8x8x128xf32, #tpu.memory_space<vmem>>
        tpu.wait_dma2 semaphore(%arg23 : memref<!tpu.dma_semaphore, #tpu.memory_space<semaphore_mem>>) src(%dma_wait3A_478 : memref<8x8x128xf32, #tpu.memory_space<vmem>>) dst(%dma_wait3A_474 : memref<8x8x128xf32, #tpu.memory_space<hbm>>)
      } else {
      }
      %get3A = arith.index_cast %shift_right_logical3A_239 : i32 to index
      %get3A_263 = arith.constant 0 : index
      %get3A_264 = tpu.vector_load %arg18[%get3A, %get3A_263] {strides = array<i32>} : memref<200x64xf32, #tpu.memory_space<vmem>>, vector<16xf32>,
      %get3A_265 = arith.index_cast %shift_right_logical3A_239 : i32 to index
      %get3A_266 = arith.constant 16 : index
      %get3A_267 = tpu.vector_load %arg18[%get3A_265, %get3A_266] {strides = array<i32>} : memref<200x64xf32, #tpu.memory_space<vmem>>, vector<16xf32>,
      %get3A_268 = arith.index_cast %shift_right_logical3A_239 : i32 to index
      %get3A_269 = arith.constant 32 : index
      %get3A_270 = tpu.vector_load %arg18[%get3A_268, %get3A_269] {strides = array<i32>} : memref<200x64xf32, #tpu.memory_space<vmem>>, vector<16xf32>,
      %get3A_271 = arith.index_cast %shift_right_logical3A_239 : i32 to index
      %get3A_272 = arith.constant 48 : index
      %get3A_273 = tpu.vector_load %arg18[%get3A_271, %get3A_272] {strides = array<i32>} : memref<200x64xf32, #tpu.memory_space<vmem>>, vector<16xf32>,
      %parallel_loop3A = arith.constant 0 : i32
      %parallel_loop3A_274 = arith.constant 128 : i32
      %parallel_loop3A_275 = arith.constant 1 : i32
      scf.for %parallel_loop3A_459 = %parallel_loop3A to %parallel_loop3A_274 step %parallel_loop3A_275  : i32 {
        %parallel_loop3A_460 = arith.constant 0 : i32
        %parallel_loop3A_461 = vector.broadcast %parallel_loop3A_460 : i32 to vector<16xi32>
        %parallel_loop3A_462 = vector.broadcast %parallel_loop3A_459 : i32 to vector<16xi32>
        %parallel_loop3A_463 = arith.addi %parallel_loop3A_461, %parallel_loop3A_462 : vector<16xi32>
        %parallel_loop3A_464 = arith.index_cast %parallel_loop3A_459 : i32 to index
        %parallel_loop3A_465 = arith.constant 0 : index
        %parallel_loop3A_466 = tpu.vector_load %arg10[%parallel_loop3A_464, %parallel_loop3A_465] {strides = array<i32>} : memref<128x64xf32, #tpu.memory_space<vmem>>, vector<16xf32>,
        %parallel_loop3A_467 = arith.addf %parallel_loop3A_466, %get3A_264 : vector<16xf32>
        tpu.vector_store_idx %arg14[%shift_right_logical3A_7, %and3A_30, %parallel_loop3A_463], %parallel_loop3A_467 : memref<8x8x129xf32, #tpu.memory_space<vmem>>[vector<16xi32>, vector<16xi32>, vector<16xi32>], vector<16xf32>,
        %parallel_loop3A_468 = arith.index_cast %parallel_loop3A_459 : i32 to index
        %parallel_loop3A_469 = arith.constant 16 : index
        %parallel_loop3A_470 = tpu.vector_load %arg10[%parallel_loop3A_468, %parallel_loop3A_469] {strides = array<i32>} : memref<128x64xf32, #tpu.memory_space<vmem>>, vector<16xf32>,
        %parallel_loop3A_471 = arith.addf %parallel_loop3A_470, %get3A_267 : vector<16xf32>
        tpu.vector_store_idx %arg14[%shift_right_logical3A_13, %and3A_36, %parallel_loop3A_463], %parallel_loop3A_471 : memref<8x8x129xf32, #tpu.memory_space<vmem>>[vector<16xi32>, vector<16xi32>, vector<16xi32>], vector<16xf32>,
        %parallel_loop3A_472 = arith.index_cast %parallel_loop3A_459 : i32 to index
        %parallel_loop3A_473 = arith.constant 32 : index
        %parallel_loop3A_474 = tpu.vector_load %arg10[%parallel_loop3A_472, %parallel_loop3A_473] {strides = array<i32>} : memref<128x64xf32, #tpu.memory_space<vmem>>, vector<16xf32>,
        %parallel_loop3A_475 = arith.addf %parallel_loop3A_474, %get3A_270 : vector<16xf32>
        tpu.vector_store_idx %arg14[%shift_right_logical3A_19, %and3A_42, %parallel_loop3A_463], %parallel_loop3A_475 : memref<8x8x129xf32, #tpu.memory_space<vmem>>[vector<16xi32>, vector<16xi32>, vector<16xi32>], vector<16xf32>,
        %parallel_loop3A_476 = arith.index_cast %parallel_loop3A_459 : i32 to index
        %parallel_loop3A_477 = arith.constant 48 : index
        %parallel_loop3A_478 = tpu.vector_load %arg10[%parallel_loop3A_476, %parallel_loop3A_477] {strides = array<i32>} : memref<128x64xf32, #tpu.memory_space<vmem>>, vector<16xf32>,
        %parallel_loop3A_479 = arith.addf %parallel_loop3A_478, %get3A_273 : vector<16xf32>
        tpu.vector_store_idx %arg14[%shift_right_logical3A_25, %and3A_48, %parallel_loop3A_463], %parallel_loop3A_479 : memref<8x8x129xf32, #tpu.memory_space<vmem>>[vector<16xi32>, vector<16xi32>, vector<16xi32>], vector<16xf32>,
      } {sc.loop_unroll_factor = 4 : i64, sc.parallel_access}
      %dma_start3A_276 = arith.constant 0 : i32
      %dma_start3A_277 = arith.constant 0 : i32
      %dma_start3A_278 = arith.constant 0 : i32
      %dma_start3A_279 = tpu.memref_slice %arg14[%dma_start3A_276, %dma_start3A_277, %dma_start3A_278] : memref<8x8x129xf32, #tpu.memory_space<vmem>> -> memref<8x8x128xf32, #tpu.memory_space<vmem>>
      %dma_start3A_280 = arith.constant 0 : i32
      %dma_start3A_281 = arith.constant 0 : i32
      %dma_start3A_282 = arith.constant 0 : i32
      %dma_start3A_283 = tpu.memref_slice %arg5[%shift_right_logical3A_239, %dma_start3A_280, %and3A_241, %dma_start3A_281, %dma_start3A_282] : memref<200x8x32x8x128xf32, #tpu.memory_space<hbm>> -> memref<1x8x1x8x128xf32, #tpu.memory_space<hbm>>
      %dma_start3A_284 = tpu.memref_squeeze %dma_start3A_283 : memref<1x8x1x8x128xf32, #tpu.memory_space<hbm>> -> memref<8x8x128xf32, #tpu.memory_space<hbm>>
      %dma_start3A_285 = arith.constant 0 : i32
      %dma_start3A_286 = arith.constant 0 : i32
      %dma_start3A_287 = arith.constant 0 : i32
      %dma_start3A_288 = tpu.memref_slice %arg5[%shift_right_logical3A_239, %dma_start3A_285, %and3A_241, %dma_start3A_286, %dma_start3A_287] : memref<200x8x32x8x128xf32, #tpu.memory_space<hbm>> -> memref<1x8x1x8x128xf32, #tpu.memory_space<hbm>>
      %dma_start3A_289 = tpu.memref_squeeze %dma_start3A_288 : memref<1x8x1x8x128xf32, #tpu.memory_space<hbm>> -> memref<8x8x128xf32, #tpu.memory_space<hbm>>
      %dma_start3A_290 = arith.constant 0 : i32
      %dma_start3A_291 = arith.constant 0 : i32
      %dma_start3A_292 = arith.constant 0 : i32
      %dma_start3A_293 = tpu.memref_slice %arg14[%dma_start3A_290, %dma_start3A_291, %dma_start3A_292] : memref<8x8x129xf32, #tpu.memory_space<vmem>> -> memref<8x8x128xf32, #tpu.memory_space<vmem>>
      tpu.enqueue_dma source(%dma_start3A_293 : memref<8x8x128xf32, #tpu.memory_space<vmem>>) target(%dma_start3A_289 : memref<8x8x128xf32, #tpu.memory_space<hbm>>) target_semaphore(%arg23 : memref<!tpu.dma_semaphore, #tpu.memory_space<semaphore_mem>>)
      %mul3A_294 = arith.constant 4 : i32
      %mul3A_295 = arith.muli %scan3A_232, %mul3A_294 : i32
      %add3A_296 = arith.constant 1 : i32
      %add3A_297 = arith.addi %mul3A_295, %add3A_296 : i32
      %add3A_298 = arith.addi %mul3A_2, %add3A_297 : i32
      %shift_right_logical3A_299 = arith.constant 5 : i32
      %shift_right_logical3A_300 = arith.shrui %add3A_298, %shift_right_logical3A_299 : i32
      %and3A_301 = arith.constant 31 : i32
      %and3A_302 = arith.andi %add3A_298, %and3A_301 : i32
      %dma_wait3A_303 = arith.constant 0 : i32
      %dma_wait3A_304 = arith.constant 0 : i32
      %dma_wait3A_305 = tpu.memref_slice %arg3[%dma_wait3A_303, %dma_wait3A_304] : memref<100000x64xf32, #tpu.memory_space<hbm>> -> memref<100000x64xf32, #tpu.memory_space<hbm>>
      tpu.wait_indirect_dma semaphore(%arg20 : memref<!tpu.dma_semaphore, #tpu.memory_space<semaphore_mem>>) src(%dma_wait3A_305 : memref<100000x64xf32, #tpu.memory_space<hbm>>) dst(%arg11 : memref<128x64xf32, #tpu.memory_space<vmem>>)
      %lt3A_306 = arith.constant 49 : i32
      %lt3A_307 = arith.cmpi slt, %scan3A_232, %lt3A_306 : i32
      %convert_element_type3A_308 = arith.extui %lt3A_307 : i1 to i32
      %cond3A_309 = arith.constant 0 : i32
      %cond3A_310 = arith.cmpi ne, %convert_element_type3A_308, %cond3A_309 : i32
      scf.if %cond3A_310 {
        %dma_wait3A_459 = arith.constant 0 : i32
        %dma_wait3A_460 = arith.constant 0 : i32
        %dma_wait3A_461 = arith.constant 0 : i32
        %dma_wait3A_462 = arith.constant 0 : i32
        %dma_wait3A_463 = tpu.memref_slice %arg2[%dma_wait3A_459, %dma_wait3A_460, %dma_wait3A_461, %dma_wait3A_462] : memref<25x32x8x128xi32, #tpu.memory_space<hbm>> -> memref<1x1x1x128xi32, #tpu.memory_space<hbm>>
        %dma_wait3A_464 = tpu.memref_squeeze %dma_wait3A_463 : memref<1x1x1x128xi32, #tpu.memory_space<hbm>> -> memref<128xi32, #tpu.memory_space<hbm>>
        %dma_wait3A_465 = arith.constant 0 : i32
        %dma_wait3A_466 = tpu.memref_slice %arg2[%dma_wait3A_459, %dma_wait3A_460, %dma_wait3A_461, %dma_wait3A_465] : memref<25x32x8x128xi32, #tpu.memory_space<hbm>> -> memref<1x1x1x128xi32, #tpu.memory_space<hbm>>
        %dma_wait3A_467 = tpu.memref_squeeze %dma_wait3A_466 : memref<1x1x1x128xi32, #tpu.memory_space<hbm>> -> memref<128xi32, #tpu.memory_space<hbm>>
        tpu.wait_dma2 semaphore(%arg27 : memref<!tpu.dma_semaphore, #tpu.memory_space<semaphore_mem>>) src(%dma_wait3A_467 : memref<128xi32, #tpu.memory_space<hbm>>) dst(%arg6 : memref<128xi32, #tpu.memory_space<vmem>>)
        %dma_start3A_468 = arith.constant 0 : i32
        %dma_start3A_469 = arith.constant 0 : i32
        %dma_start3A_470 = tpu.memref_slice %arg3[%dma_start3A_468, %dma_start3A_469] : memref<100000x64xf32, #tpu.memory_space<hbm>> -> memref<100000x64xf32, #tpu.memory_space<hbm>>
        tpu.enqueue_indirect_dma source(%dma_start3A_470 : memref<100000x64xf32, #tpu.memory_space<hbm>>) target(%arg10 : memref<128x64xf32, #tpu.memory_space<vmem>>) offsets(%arg6 : memref<128xi32, #tpu.memory_space<vmem>>) semaphore(%arg19 : memref<!tpu.dma_semaphore, #tpu.memory_space<semaphore_mem>>)
        %add3A_471 = arith.constant 4 : i32
        %add3A_472 = arith.addi %add3A_297, %add3A_471 : i32
        %add3A_473 = arith.addi %mul3A_2, %add3A_472 : i32
        %shift_right_logical3A_474 = arith.constant 5 : i32
        %shift_right_logical3A_475 = arith.shrui %add3A_473, %shift_right_logical3A_474 : i32
        %and3A_476 = arith.constant 31 : i32
        %and3A_477 = arith.andi %add3A_473, %and3A_476 : i32
        %shift_right_logical3A_478 = arith.constant 3 : i32
        %shift_right_logical3A_479 = arith.shrui %shift_right_logical3A_475, %shift_right_logical3A_478 : i32
        %and3A_480 = arith.constant 7 : i32
        %and3A_481 = arith.andi %shift_right_logical3A_475, %and3A_480 : i32
        %dma_start3A_482 = arith.constant 0 : i32
        %dma_start3A_483 = tpu.memref_slice %arg2[%shift_right_logical3A_479, %and3A_477, %and3A_481, %dma_start3A_482] : memref<25x32x8x128xi32, #tpu.memory_space<hbm>> -> memref<1x1x1x128xi32, #tpu.memory_space<hbm>>
        %dma_start3A_484 = tpu.memref_squeeze %dma_start3A_483 : memref<1x1x1x128xi32, #tpu.memory_space<hbm>> -> memref<128xi32, #tpu.memory_space<hbm>>
        %dma_start3A_485 = arith.constant 0 : i32
        %dma_start3A_486 = tpu.memref_slice %arg2[%shift_right_logical3A_479, %and3A_477, %and3A_481, %dma_start3A_485] : memref<25x32x8x128xi32, #tpu.memory_space<hbm>> -> memref<1x1x1x128xi32, #tpu.memory_space<hbm>>
        %dma_start3A_487 = tpu.memref_squeeze %dma_start3A_486 : memref<1x1x1x128xi32, #tpu.memory_space<hbm>> -> memref<128xi32, #tpu.memory_space<hbm>>
        tpu.enqueue_dma source(%dma_start3A_487 : memref<128xi32, #tpu.memory_space<hbm>>) target(%arg7 : memref<128xi32, #tpu.memory_space<vmem>>) target_semaphore(%arg28 : memref<!tpu.dma_semaphore, #tpu.memory_space<semaphore_mem>>)
      } else {
      }
      %gt3A_311 = arith.constant 0 : i32
      %gt3A_312 = arith.cmpi sgt, %scan3A_232, %gt3A_311 : i32
      %convert_element_type3A_313 = arith.extui %gt3A_312 : i1 to i32
      %cond3A_314 = arith.constant 0 : i32
      %cond3A_315 = arith.cmpi ne, %convert_element_type3A_313, %cond3A_314 : i32
      scf.if %cond3A_315 {
        %dma_wait3A_459 = arith.constant 0 : i32
        %dma_wait3A_460 = arith.constant 0 : i32
        %dma_wait3A_461 = arith.constant 0 : i32
        %dma_wait3A_462 = arith.constant 0 : i32
        %dma_wait3A_463 = arith.constant 0 : i32
        %dma_wait3A_464 = tpu.memref_slice %arg15[%dma_wait3A_461, %dma_wait3A_462, %dma_wait3A_463] : memref<8x8x129xf32, #tpu.memory_space<vmem>> -> memref<8x8x128xf32, #tpu.memory_space<vmem>>
        %dma_wait3A_465 = arith.constant 0 : i32
        %dma_wait3A_466 = arith.constant 0 : i32
        %dma_wait3A_467 = arith.constant 0 : i32
        %dma_wait3A_468 = tpu.memref_slice %arg5[%dma_wait3A_459, %dma_wait3A_465, %dma_wait3A_460, %dma_wait3A_466, %dma_wait3A_467] : memref<200x8x32x8x128xf32, #tpu.memory_space<hbm>> -> memref<1x8x1x8x128xf32, #tpu.memory_space<hbm>>
        %dma_wait3A_469 = tpu.memref_squeeze %dma_wait3A_468 : memref<1x8x1x8x128xf32, #tpu.memory_space<hbm>> -> memref<8x8x128xf32, #tpu.memory_space<hbm>>
        %dma_wait3A_470 = arith.constant 0 : i32
        %dma_wait3A_471 = arith.constant 0 : i32
        %dma_wait3A_472 = arith.constant 0 : i32
        %dma_wait3A_473 = tpu.memref_slice %arg5[%dma_wait3A_459, %dma_wait3A_470, %dma_wait3A_460, %dma_wait3A_471, %dma_wait3A_472] : memref<200x8x32x8x128xf32, #tpu.memory_space<hbm>> -> memref<1x8x1x8x128xf32, #tpu.memory_space<hbm>>
        %dma_wait3A_474 = tpu.memref_squeeze %dma_wait3A_473 : memref<1x8x1x8x128xf32, #tpu.memory_space<hbm>> -> memref<8x8x128xf32, #tpu.memory_space<hbm>>
        %dma_wait3A_475 = arith.constant 0 : i32
        %dma_wait3A_476 = arith.constant 0 : i32
        %dma_wait3A_477 = arith.constant 0 : i32
        %dma_wait3A_478 = tpu.memref_slice %arg15[%dma_wait3A_475, %dma_wait3A_476, %dma_wait3A_477] : memref<8x8x129xf32, #tpu.memory_space<vmem>> -> memref<8x8x128xf32, #tpu.memory_space<vmem>>
        tpu.wait_dma2 semaphore(%arg24 : memref<!tpu.dma_semaphore, #tpu.memory_space<semaphore_mem>>) src(%dma_wait3A_478 : memref<8x8x128xf32, #tpu.memory_space<vmem>>) dst(%dma_wait3A_474 : memref<8x8x128xf32, #tpu.memory_space<hbm>>)
      } else {
      }
      %get3A_316 = arith.index_cast %shift_right_logical3A_300 : i32 to index
      %get3A_317 = arith.constant 0 : index
      %get3A_318 = tpu.vector_load %arg18[%get3A_316, %get3A_317] {strides = array<i32>} : memref<200x64xf32, #tpu.memory_space<vmem>>, vector<16xf32>,
      %get3A_319 = arith.index_cast %shift_right_logical3A_300 : i32 to index
      %get3A_320 = arith.constant 16 : index
      %get3A_321 = tpu.vector_load %arg18[%get3A_319, %get3A_320] {strides = array<i32>} : memref<200x64xf32, #tpu.memory_space<vmem>>, vector<16xf32>,
      %get3A_322 = arith.index_cast %shift_right_logical3A_300 : i32 to index
      %get3A_323 = arith.constant 32 : index
      %get3A_324 = tpu.vector_load %arg18[%get3A_322, %get3A_323] {strides = array<i32>} : memref<200x64xf32, #tpu.memory_space<vmem>>, vector<16xf32>,
      %get3A_325 = arith.index_cast %shift_right_logical3A_300 : i32 to index
      %get3A_326 = arith.constant 48 : index
      %get3A_327 = tpu.vector_load %arg18[%get3A_325, %get3A_326] {strides = array<i32>} : memref<200x64xf32, #tpu.memory_space<vmem>>, vector<16xf32>,
      %parallel_loop3A_328 = arith.constant 0 : i32
      %parallel_loop3A_329 = arith.constant 128 : i32
      %parallel_loop3A_330 = arith.constant 1 : i32
      scf.for %parallel_loop3A_459 = %parallel_loop3A_328 to %parallel_loop3A_329 step %parallel_loop3A_330  : i32 {
        %parallel_loop3A_460 = arith.constant 0 : i32
        %parallel_loop3A_461 = vector.broadcast %parallel_loop3A_460 : i32 to vector<16xi32>
        %parallel_loop3A_462 = vector.broadcast %parallel_loop3A_459 : i32 to vector<16xi32>
        %parallel_loop3A_463 = arith.addi %parallel_loop3A_461, %parallel_loop3A_462 : vector<16xi32>
        %parallel_loop3A_464 = arith.index_cast %parallel_loop3A_459 : i32 to index
        %parallel_loop3A_465 = arith.constant 0 : index
        %parallel_loop3A_466 = tpu.vector_load %arg11[%parallel_loop3A_464, %parallel_loop3A_465] {strides = array<i32>} : memref<128x64xf32, #tpu.memory_space<vmem>>, vector<16xf32>,
        %parallel_loop3A_467 = arith.addf %parallel_loop3A_466, %get3A_318 : vector<16xf32>
        tpu.vector_store_idx %arg15[%shift_right_logical3A_7, %and3A_30, %parallel_loop3A_463], %parallel_loop3A_467 : memref<8x8x129xf32, #tpu.memory_space<vmem>>[vector<16xi32>, vector<16xi32>, vector<16xi32>], vector<16xf32>,
        %parallel_loop3A_468 = arith.index_cast %parallel_loop3A_459 : i32 to index
        %parallel_loop3A_469 = arith.constant 16 : index
        %parallel_loop3A_470 = tpu.vector_load %arg11[%parallel_loop3A_468, %parallel_loop3A_469] {strides = array<i32>} : memref<128x64xf32, #tpu.memory_space<vmem>>, vector<16xf32>,
        %parallel_loop3A_471 = arith.addf %parallel_loop3A_470, %get3A_321 : vector<16xf32>
        tpu.vector_store_idx %arg15[%shift_right_logical3A_13, %and3A_36, %parallel_loop3A_463], %parallel_loop3A_471 : memref<8x8x129xf32, #tpu.memory_space<vmem>>[vector<16xi32>, vector<16xi32>, vector<16xi32>], vector<16xf32>,
        %parallel_loop3A_472 = arith.index_cast %parallel_loop3A_459 : i32 to index
        %parallel_loop3A_473 = arith.constant 32 : index
        %parallel_loop3A_474 = tpu.vector_load %arg11[%parallel_loop3A_472, %parallel_loop3A_473] {strides = array<i32>} : memref<128x64xf32, #tpu.memory_space<vmem>>, vector<16xf32>,
        %parallel_loop3A_475 = arith.addf %parallel_loop3A_474, %get3A_324 : vector<16xf32>
        tpu.vector_store_idx %arg15[%shift_right_logical3A_19, %and3A_42, %parallel_loop3A_463], %parallel_loop3A_475 : memref<8x8x129xf32, #tpu.memory_space<vmem>>[vector<16xi32>, vector<16xi32>, vector<16xi32>], vector<16xf32>,
        %parallel_loop3A_476 = arith.index_cast %parallel_loop3A_459 : i32 to index
        %parallel_loop3A_477 = arith.constant 48 : index
        %parallel_loop3A_478 = tpu.vector_load %arg11[%parallel_loop3A_476, %parallel_loop3A_477] {strides = array<i32>} : memref<128x64xf32, #tpu.memory_space<vmem>>, vector<16xf32>,
        %parallel_loop3A_479 = arith.addf %parallel_loop3A_478, %get3A_327 : vector<16xf32>
        tpu.vector_store_idx %arg15[%shift_right_logical3A_25, %and3A_48, %parallel_loop3A_463], %parallel_loop3A_479 : memref<8x8x129xf32, #tpu.memory_space<vmem>>[vector<16xi32>, vector<16xi32>, vector<16xi32>], vector<16xf32>,
      } {sc.loop_unroll_factor = 4 : i64, sc.parallel_access}
      %dma_start3A_331 = arith.constant 0 : i32
      %dma_start3A_332 = arith.constant 0 : i32
      %dma_start3A_333 = arith.constant 0 : i32
      %dma_start3A_334 = tpu.memref_slice %arg15[%dma_start3A_331, %dma_start3A_332, %dma_start3A_333] : memref<8x8x129xf32, #tpu.memory_space<vmem>> -> memref<8x8x128xf32, #tpu.memory_space<vmem>>
      %dma_start3A_335 = arith.constant 0 : i32
      %dma_start3A_336 = arith.constant 0 : i32
      %dma_start3A_337 = arith.constant 0 : i32
      %dma_start3A_338 = tpu.memref_slice %arg5[%shift_right_logical3A_300, %dma_start3A_335, %and3A_302, %dma_start3A_336, %dma_start3A_337] : memref<200x8x32x8x128xf32, #tpu.memory_space<hbm>> -> memref<1x8x1x8x128xf32, #tpu.memory_space<hbm>>
      %dma_start3A_339 = tpu.memref_squeeze %dma_start3A_338 : memref<1x8x1x8x128xf32, #tpu.memory_space<hbm>> -> memref<8x8x128xf32, #tpu.memory_space<hbm>>
      %dma_start3A_340 = arith.constant 0 : i32
      %dma_start3A_341 = arith.constant 0 : i32
      %dma_start3A_342 = arith.constant 0 : i32
      %dma_start3A_343 = tpu.memref_slice %arg5[%shift_right_logical3A_300, %dma_start3A_340, %and3A_302, %dma_start3A_341, %dma_start3A_342] : memref<200x8x32x8x128xf32, #tpu.memory_space<hbm>> -> memref<1x8x1x8x128xf32, #tpu.memory_space<hbm>>
      %dma_start3A_344 = tpu.memref_squeeze %dma_start3A_343 : memref<1x8x1x8x128xf32, #tpu.memory_space<hbm>> -> memref<8x8x128xf32, #tpu.memory_space<hbm>>
      %dma_start3A_345 = arith.constant 0 : i32
      %dma_start3A_346 = arith.constant 0 : i32
      %dma_start3A_347 = arith.constant 0 : i32
      %dma_start3A_348 = tpu.memref_slice %arg15[%dma_start3A_345, %dma_start3A_346, %dma_start3A_347] : memref<8x8x129xf32, #tpu.memory_space<vmem>> -> memref<8x8x128xf32, #tpu.memory_space<vmem>>
      tpu.enqueue_dma source(%dma_start3A_348 : memref<8x8x128xf32, #tpu.memory_space<vmem>>) target(%dma_start3A_344 : memref<8x8x128xf32, #tpu.memory_space<hbm>>) target_semaphore(%arg24 : memref<!tpu.dma_semaphore, #tpu.memory_space<semaphore_mem>>)
      %mul3A_349 = arith.constant 4 : i32
      %mul3A_350 = arith.muli %scan3A_232, %mul3A_349 : i32
      %add3A_351 = arith.constant 2 : i32
      %add3A_352 = arith.addi %mul3A_350, %add3A_351 : i32
      %add3A_353 = arith.addi %mul3A_2, %add3A_352 : i32
      %shift_right_logical3A_354 = arith.constant 5 : i32
      %shift_right_logical3A_355 = arith.shrui %add3A_353, %shift_right_logical3A_354 : i32
      %and3A_356 = arith.constant 31 : i32
      %and3A_357 = arith.andi %add3A_353, %and3A_356 : i32
      %dma_wait3A_358 = arith.constant 0 : i32
      %dma_wait3A_359 = arith.constant 0 : i32
      %dma_wait3A_360 = tpu.memref_slice %arg3[%dma_wait3A_358, %dma_wait3A_359] : memref<100000x64xf32, #tpu.memory_space<hbm>> -> memref<100000x64xf32, #tpu.memory_space<hbm>>
      tpu.wait_indirect_dma semaphore(%arg21 : memref<!tpu.dma_semaphore, #tpu.memory_space<semaphore_mem>>) src(%dma_wait3A_360 : memref<100000x64xf32, #tpu.memory_space<hbm>>) dst(%arg12 : memref<128x64xf32, #tpu.memory_space<vmem>>)
      %lt3A_361 = arith.constant 49 : i32
      %lt3A_362 = arith.cmpi slt, %scan3A_232, %lt3A_361 : i32
      %convert_element_type3A_363 = arith.extui %lt3A_362 : i1 to i32
      %cond3A_364 = arith.constant 0 : i32
      %cond3A_365 = arith.cmpi ne, %convert_element_type3A_363, %cond3A_364 : i32
      scf.if %cond3A_365 {
        %dma_wait3A_459 = arith.constant 0 : i32
        %dma_wait3A_460 = arith.constant 0 : i32
        %dma_wait3A_461 = arith.constant 0 : i32
        %dma_wait3A_462 = arith.constant 0 : i32
        %dma_wait3A_463 = tpu.memref_slice %arg2[%dma_wait3A_459, %dma_wait3A_460, %dma_wait3A_461, %dma_wait3A_462] : memref<25x32x8x128xi32, #tpu.memory_space<hbm>> -> memref<1x1x1x128xi32, #tpu.memory_space<hbm>>
        %dma_wait3A_464 = tpu.memref_squeeze %dma_wait3A_463 : memref<1x1x1x128xi32, #tpu.memory_space<hbm>> -> memref<128xi32, #tpu.memory_space<hbm>>
        %dma_wait3A_465 = arith.constant 0 : i32
        %dma_wait3A_466 = tpu.memref_slice %arg2[%dma_wait3A_459, %dma_wait3A_460, %dma_wait3A_461, %dma_wait3A_465] : memref<25x32x8x128xi32, #tpu.memory_space<hbm>> -> memref<1x1x1x128xi32, #tpu.memory_space<hbm>>
        %dma_wait3A_467 = tpu.memref_squeeze %dma_wait3A_466 : memref<1x1x1x128xi32, #tpu.memory_space<hbm>> -> memref<128xi32, #tpu.memory_space<hbm>>
        tpu.wait_dma2 semaphore(%arg28 : memref<!tpu.dma_semaphore, #tpu.memory_space<semaphore_mem>>) src(%dma_wait3A_467 : memref<128xi32, #tpu.memory_space<hbm>>) dst(%arg7 : memref<128xi32, #tpu.memory_space<vmem>>)
        %dma_start3A_468 = arith.constant 0 : i32
        %dma_start3A_469 = arith.constant 0 : i32
        %dma_start3A_470 = tpu.memref_slice %arg3[%dma_start3A_468, %dma_start3A_469] : memref<100000x64xf32, #tpu.memory_space<hbm>> -> memref<100000x64xf32, #tpu.memory_space<hbm>>
        tpu.enqueue_indirect_dma source(%dma_start3A_470 : memref<100000x64xf32, #tpu.memory_space<hbm>>) target(%arg11 : memref<128x64xf32, #tpu.memory_space<vmem>>) offsets(%arg7 : memref<128xi32, #tpu.memory_space<vmem>>) semaphore(%arg20 : memref<!tpu.dma_semaphore, #tpu.memory_space<semaphore_mem>>)
        %add3A_471 = arith.constant 4 : i32
        %add3A_472 = arith.addi %add3A_352, %add3A_471 : i32
        %add3A_473 = arith.addi %mul3A_2, %add3A_472 : i32
        %shift_right_logical3A_474 = arith.constant 5 : i32
        %shift_right_logical3A_475 = arith.shrui %add3A_473, %shift_right_logical3A_474 : i32
        %and3A_476 = arith.constant 31 : i32
        %and3A_477 = arith.andi %add3A_473, %and3A_476 : i32
        %shift_right_logical3A_478 = arith.constant 3 : i32
        %shift_right_logical3A_479 = arith.shrui %shift_right_logical3A_475, %shift_right_logical3A_478 : i32
        %and3A_480 = arith.constant 7 : i32
        %and3A_481 = arith.andi %shift_right_logical3A_475, %and3A_480 : i32
        %dma_start3A_482 = arith.constant 0 : i32
        %dma_start3A_483 = tpu.memref_slice %arg2[%shift_right_logical3A_479, %and3A_477, %and3A_481, %dma_start3A_482] : memref<25x32x8x128xi32, #tpu.memory_space<hbm>> -> memref<1x1x1x128xi32, #tpu.memory_space<hbm>>
        %dma_start3A_484 = tpu.memref_squeeze %dma_start3A_483 : memref<1x1x1x128xi32, #tpu.memory_space<hbm>> -> memref<128xi32, #tpu.memory_space<hbm>>
        %dma_start3A_485 = arith.constant 0 : i32
        %dma_start3A_486 = tpu.memref_slice %arg2[%shift_right_logical3A_479, %and3A_477, %and3A_481, %dma_start3A_485] : memref<25x32x8x128xi32, #tpu.memory_space<hbm>> -> memref<1x1x1x128xi32, #tpu.memory_space<hbm>>
        %dma_start3A_487 = tpu.memref_squeeze %dma_start3A_486 : memref<1x1x1x128xi32, #tpu.memory_space<hbm>> -> memref<128xi32, #tpu.memory_space<hbm>>
        tpu.enqueue_dma source(%dma_start3A_487 : memref<128xi32, #tpu.memory_space<hbm>>) target(%arg8 : memref<128xi32, #tpu.memory_space<vmem>>) target_semaphore(%arg29 : memref<!tpu.dma_semaphore, #tpu.memory_space<semaphore_mem>>)
      } else {
      }
      %gt3A_366 = arith.constant 0 : i32
      %gt3A_367 = arith.cmpi sgt, %scan3A_232, %gt3A_366 : i32
      %convert_element_type3A_368 = arith.extui %gt3A_367 : i1 to i32
      %cond3A_369 = arith.constant 0 : i32
      %cond3A_370 = arith.cmpi ne, %convert_element_type3A_368, %cond3A_369 : i32
      scf.if %cond3A_370 {
        %dma_wait3A_459 = arith.constant 0 : i32
        %dma_wait3A_460 = arith.constant 0 : i32
        %dma_wait3A_461 = arith.constant 0 : i32
        %dma_wait3A_462 = arith.constant 0 : i32
        %dma_wait3A_463 = arith.constant 0 : i32
        %dma_wait3A_464 = tpu.memref_slice %arg16[%dma_wait3A_461, %dma_wait3A_462, %dma_wait3A_463] : memref<8x8x129xf32, #tpu.memory_space<vmem>> -> memref<8x8x128xf32, #tpu.memory_space<vmem>>
        %dma_wait3A_465 = arith.constant 0 : i32
        %dma_wait3A_466 = arith.constant 0 : i32
        %dma_wait3A_467 = arith.constant 0 : i32
        %dma_wait3A_468 = tpu.memref_slice %arg5[%dma_wait3A_459, %dma_wait3A_465, %dma_wait3A_460, %dma_wait3A_466, %dma_wait3A_467] : memref<200x8x32x8x128xf32, #tpu.memory_space<hbm>> -> memref<1x8x1x8x128xf32, #tpu.memory_space<hbm>>
        %dma_wait3A_469 = tpu.memref_squeeze %dma_wait3A_468 : memref<1x8x1x8x128xf32, #tpu.memory_space<hbm>> -> memref<8x8x128xf32, #tpu.memory_space<hbm>>
        %dma_wait3A_470 = arith.constant 0 : i32
        %dma_wait3A_471 = arith.constant 0 : i32
        %dma_wait3A_472 = arith.constant 0 : i32
        %dma_wait3A_473 = tpu.memref_slice %arg5[%dma_wait3A_459, %dma_wait3A_470, %dma_wait3A_460, %dma_wait3A_471, %dma_wait3A_472] : memref<200x8x32x8x128xf32, #tpu.memory_space<hbm>> -> memref<1x8x1x8x128xf32, #tpu.memory_space<hbm>>
        %dma_wait3A_474 = tpu.memref_squeeze %dma_wait3A_473 : memref<1x8x1x8x128xf32, #tpu.memory_space<hbm>> -> memref<8x8x128xf32, #tpu.memory_space<hbm>>
        %dma_wait3A_475 = arith.constant 0 : i32
        %dma_wait3A_476 = arith.constant 0 : i32
        %dma_wait3A_477 = arith.constant 0 : i32
        %dma_wait3A_478 = tpu.memref_slice %arg16[%dma_wait3A_475, %dma_wait3A_476, %dma_wait3A_477] : memref<8x8x129xf32, #tpu.memory_space<vmem>> -> memref<8x8x128xf32, #tpu.memory_space<vmem>>
        tpu.wait_dma2 semaphore(%arg25 : memref<!tpu.dma_semaphore, #tpu.memory_space<semaphore_mem>>) src(%dma_wait3A_478 : memref<8x8x128xf32, #tpu.memory_space<vmem>>) dst(%dma_wait3A_474 : memref<8x8x128xf32, #tpu.memory_space<hbm>>)
      } else {
      }
      %get3A_371 = arith.index_cast %shift_right_logical3A_355 : i32 to index
      %get3A_372 = arith.constant 0 : index
      %get3A_373 = tpu.vector_load %arg18[%get3A_371, %get3A_372] {strides = array<i32>} : memref<200x64xf32, #tpu.memory_space<vmem>>, vector<16xf32>,
      %get3A_374 = arith.index_cast %shift_right_logical3A_355 : i32 to index
      %get3A_375 = arith.constant 16 : index
      %get3A_376 = tpu.vector_load %arg18[%get3A_374, %get3A_375] {strides = array<i32>} : memref<200x64xf32, #tpu.memory_space<vmem>>, vector<16xf32>,
      %get3A_377 = arith.index_cast %shift_right_logical3A_355 : i32 to index
      %get3A_378 = arith.constant 32 : index
      %get3A_379 = tpu.vector_load %arg18[%get3A_377, %get3A_378] {strides = array<i32>} : memref<200x64xf32, #tpu.memory_space<vmem>>, vector<16xf32>,
      %get3A_380 = arith.index_cast %shift_right_logical3A_355 : i32 to index
      %get3A_381 = arith.constant 48 : index
      %get3A_382 = tpu.vector_load %arg18[%get3A_380, %get3A_381] {strides = array<i32>} : memref<200x64xf32, #tpu.memory_space<vmem>>, vector<16xf32>,
      %parallel_loop3A_383 = arith.constant 0 : i32
      %parallel_loop3A_384 = arith.constant 128 : i32
      %parallel_loop3A_385 = arith.constant 1 : i32
      scf.for %parallel_loop3A_459 = %parallel_loop3A_383 to %parallel_loop3A_384 step %parallel_loop3A_385  : i32 {
        %parallel_loop3A_460 = arith.constant 0 : i32
        %parallel_loop3A_461 = vector.broadcast %parallel_loop3A_460 : i32 to vector<16xi32>
        %parallel_loop3A_462 = vector.broadcast %parallel_loop3A_459 : i32 to vector<16xi32>
        %parallel_loop3A_463 = arith.addi %parallel_loop3A_461, %parallel_loop3A_462 : vector<16xi32>
        %parallel_loop3A_464 = arith.index_cast %parallel_loop3A_459 : i32 to index
        %parallel_loop3A_465 = arith.constant 0 : index
        %parallel_loop3A_466 = tpu.vector_load %arg12[%parallel_loop3A_464, %parallel_loop3A_465] {strides = array<i32>} : memref<128x64xf32, #tpu.memory_space<vmem>>, vector<16xf32>,
        %parallel_loop3A_467 = arith.addf %parallel_loop3A_466, %get3A_373 : vector<16xf32>
        tpu.vector_store_idx %arg16[%shift_right_logical3A_7, %and3A_30, %parallel_loop3A_463], %parallel_loop3A_467 : memref<8x8x129xf32, #tpu.memory_space<vmem>>[vector<16xi32>, vector<16xi32>, vector<16xi32>], vector<16xf32>,
        %parallel_loop3A_468 = arith.index_cast %parallel_loop3A_459 : i32 to index
        %parallel_loop3A_469 = arith.constant 16 : index
        %parallel_loop3A_470 = tpu.vector_load %arg12[%parallel_loop3A_468, %parallel_loop3A_469] {strides = array<i32>} : memref<128x64xf32, #tpu.memory_space<vmem>>, vector<16xf32>,
        %parallel_loop3A_471 = arith.addf %parallel_loop3A_470, %get3A_376 : vector<16xf32>
        tpu.vector_store_idx %arg16[%shift_right_logical3A_13, %and3A_36, %parallel_loop3A_463], %parallel_loop3A_471 : memref<8x8x129xf32, #tpu.memory_space<vmem>>[vector<16xi32>, vector<16xi32>, vector<16xi32>], vector<16xf32>,
        %parallel_loop3A_472 = arith.index_cast %parallel_loop3A_459 : i32 to index
        %parallel_loop3A_473 = arith.constant 32 : index
        %parallel_loop3A_474 = tpu.vector_load %arg12[%parallel_loop3A_472, %parallel_loop3A_473] {strides = array<i32>} : memref<128x64xf32, #tpu.memory_space<vmem>>, vector<16xf32>,
        %parallel_loop3A_475 = arith.addf %parallel_loop3A_474, %get3A_379 : vector<16xf32>
        tpu.vector_store_idx %arg16[%shift_right_logical3A_19, %and3A_42, %parallel_loop3A_463], %parallel_loop3A_475 : memref<8x8x129xf32, #tpu.memory_space<vmem>>[vector<16xi32>, vector<16xi32>, vector<16xi32>], vector<16xf32>,
        %parallel_loop3A_476 = arith.index_cast %parallel_loop3A_459 : i32 to index
        %parallel_loop3A_477 = arith.constant 48 : index
        %parallel_loop3A_478 = tpu.vector_load %arg12[%parallel_loop3A_476, %parallel_loop3A_477] {strides = array<i32>} : memref<128x64xf32, #tpu.memory_space<vmem>>, vector<16xf32>,
        %parallel_loop3A_479 = arith.addf %parallel_loop3A_478, %get3A_382 : vector<16xf32>
        tpu.vector_store_idx %arg16[%shift_right_logical3A_25, %and3A_48, %parallel_loop3A_463], %parallel_loop3A_479 : memref<8x8x129xf32, #tpu.memory_space<vmem>>[vector<16xi32>, vector<16xi32>, vector<16xi32>], vector<16xf32>,
      } {sc.loop_unroll_factor = 4 : i64, sc.parallel_access}
      %dma_start3A_386 = arith.constant 0 : i32
      %dma_start3A_387 = arith.constant 0 : i32
      %dma_start3A_388 = arith.constant 0 : i32
      %dma_start3A_389 = tpu.memref_slice %arg16[%dma_start3A_386, %dma_start3A_387, %dma_start3A_388] : memref<8x8x129xf32, #tpu.memory_space<vmem>> -> memref<8x8x128xf32, #tpu.memory_space<vmem>>
      %dma_start3A_390 = arith.constant 0 : i32
      %dma_start3A_391 = arith.constant 0 : i32
      %dma_start3A_392 = arith.constant 0 : i32
      %dma_start3A_393 = tpu.memref_slice %arg5[%shift_right_logical3A_355, %dma_start3A_390, %and3A_357, %dma_start3A_391, %dma_start3A_392] : memref<200x8x32x8x128xf32, #tpu.memory_space<hbm>> -> memref<1x8x1x8x128xf32, #tpu.memory_space<hbm>>
      %dma_start3A_394 = tpu.memref_squeeze %dma_start3A_393 : memref<1x8x1x8x128xf32, #tpu.memory_space<hbm>> -> memref<8x8x128xf32, #tpu.memory_space<hbm>>
      %dma_start3A_395 = arith.constant 0 : i32
      %dma_start3A_396 = arith.constant 0 : i32
      %dma_start3A_397 = arith.constant 0 : i32
      %dma_start3A_398 = tpu.memref_slice %arg5[%shift_right_logical3A_355, %dma_start3A_395, %and3A_357, %dma_start3A_396, %dma_start3A_397] : memref<200x8x32x8x128xf32, #tpu.memory_space<hbm>> -> memref<1x8x1x8x128xf32, #tpu.memory_space<hbm>>
      %dma_start3A_399 = tpu.memref_squeeze %dma_start3A_398 : memref<1x8x1x8x128xf32, #tpu.memory_space<hbm>> -> memref<8x8x128xf32, #tpu.memory_space<hbm>>
      %dma_start3A_400 = arith.constant 0 : i32
      %dma_start3A_401 = arith.constant 0 : i32
      %dma_start3A_402 = arith.constant 0 : i32
      %dma_start3A_403 = tpu.memref_slice %arg16[%dma_start3A_400, %dma_start3A_401, %dma_start3A_402] : memref<8x8x129xf32, #tpu.memory_space<vmem>> -> memref<8x8x128xf32, #tpu.memory_space<vmem>>
      tpu.enqueue_dma source(%dma_start3A_403 : memref<8x8x128xf32, #tpu.memory_space<vmem>>) target(%dma_start3A_399 : memref<8x8x128xf32, #tpu.memory_space<hbm>>) target_semaphore(%arg25 : memref<!tpu.dma_semaphore, #tpu.memory_space<semaphore_mem>>)
      %mul3A_404 = arith.constant 4 : i32
      %mul3A_405 = arith.muli %scan3A_232, %mul3A_404 : i32
      %add3A_406 = arith.constant 3 : i32
      %add3A_407 = arith.addi %mul3A_405, %add3A_406 : i32
      %add3A_408 = arith.addi %mul3A_2, %add3A_407 : i32
      %shift_right_logical3A_409 = arith.constant 5 : i32
      %shift_right_logical3A_410 = arith.shrui %add3A_408, %shift_right_logical3A_409 : i32
      %and3A_411 = arith.constant 31 : i32
      %and3A_412 = arith.andi %add3A_408, %and3A_411 : i32
      %dma_wait3A_413 = arith.constant 0 : i32
      %dma_wait3A_414 = arith.constant 0 : i32
      %dma_wait3A_415 = tpu.memref_slice %arg3[%dma_wait3A_413, %dma_wait3A_414] : memref<100000x64xf32, #tpu.memory_space<hbm>> -> memref<100000x64xf32, #tpu.memory_space<hbm>>
      tpu.wait_indirect_dma semaphore(%arg22 : memref<!tpu.dma_semaphore, #tpu.memory_space<semaphore_mem>>) src(%dma_wait3A_415 : memref<100000x64xf32, #tpu.memory_space<hbm>>) dst(%arg13 : memref<128x64xf32, #tpu.memory_space<vmem>>)
      %lt3A_416 = arith.constant 49 : i32
      %lt3A_417 = arith.cmpi slt, %scan3A_232, %lt3A_416 : i32
      %convert_element_type3A_418 = arith.extui %lt3A_417 : i1 to i32
      %cond3A_419 = arith.constant 0 : i32
      %cond3A_420 = arith.cmpi ne, %convert_element_type3A_418, %cond3A_419 : i32
      scf.if %cond3A_420 {
        %dma_wait3A_459 = arith.constant 0 : i32
        %dma_wait3A_460 = arith.constant 0 : i32
        %dma_wait3A_461 = arith.constant 0 : i32
        %dma_wait3A_462 = arith.constant 0 : i32
        %dma_wait3A_463 = tpu.memref_slice %arg2[%dma_wait3A_459, %dma_wait3A_460, %dma_wait3A_461, %dma_wait3A_462] : memref<25x32x8x128xi32, #tpu.memory_space<hbm>> -> memref<1x1x1x128xi32, #tpu.memory_space<hbm>>
        %dma_wait3A_464 = tpu.memref_squeeze %dma_wait3A_463 : memref<1x1x1x128xi32, #tpu.memory_space<hbm>> -> memref<128xi32, #tpu.memory_space<hbm>>
        %dma_wait3A_465 = arith.constant 0 : i32
        %dma_wait3A_466 = tpu.memref_slice %arg2[%dma_wait3A_459, %dma_wait3A_460, %dma_wait3A_461, %dma_wait3A_465] : memref<25x32x8x128xi32, #tpu.memory_space<hbm>> -> memref<1x1x1x128xi32, #tpu.memory_space<hbm>>
        %dma_wait3A_467 = tpu.memref_squeeze %dma_wait3A_466 : memref<1x1x1x128xi32, #tpu.memory_space<hbm>> -> memref<128xi32, #tpu.memory_space<hbm>>
        tpu.wait_dma2 semaphore(%arg29 : memref<!tpu.dma_semaphore, #tpu.memory_space<semaphore_mem>>) src(%dma_wait3A_467 : memref<128xi32, #tpu.memory_space<hbm>>) dst(%arg8 : memref<128xi32, #tpu.memory_space<vmem>>)
        %dma_start3A_468 = arith.constant 0 : i32
        %dma_start3A_469 = arith.constant 0 : i32
        %dma_start3A_470 = tpu.memref_slice %arg3[%dma_start3A_468, %dma_start3A_469] : memref<100000x64xf32, #tpu.memory_space<hbm>> -> memref<100000x64xf32, #tpu.memory_space<hbm>>
        tpu.enqueue_indirect_dma source(%dma_start3A_470 : memref<100000x64xf32, #tpu.memory_space<hbm>>) target(%arg12 : memref<128x64xf32, #tpu.memory_space<vmem>>) offsets(%arg8 : memref<128xi32, #tpu.memory_space<vmem>>) semaphore(%arg21 : memref<!tpu.dma_semaphore, #tpu.memory_space<semaphore_mem>>)
        %add3A_471 = arith.constant 4 : i32
        %add3A_472 = arith.addi %add3A_407, %add3A_471 : i32
        %add3A_473 = arith.addi %mul3A_2, %add3A_472 : i32
        %shift_right_logical3A_474 = arith.constant 5 : i32
        %shift_right_logical3A_475 = arith.shrui %add3A_473, %shift_right_logical3A_474 : i32
        %and3A_476 = arith.constant 31 : i32
        %and3A_477 = arith.andi %add3A_473, %and3A_476 : i32
        %shift_right_logical3A_478 = arith.constant 3 : i32
        %shift_right_logical3A_479 = arith.shrui %shift_right_logical3A_475, %shift_right_logical3A_478 : i32
        %and3A_480 = arith.constant 7 : i32
        %and3A_481 = arith.andi %shift_right_logical3A_475, %and3A_480 : i32
        %dma_start3A_482 = arith.constant 0 : i32
        %dma_start3A_483 = tpu.memref_slice %arg2[%shift_right_logical3A_479, %and3A_477, %and3A_481, %dma_start3A_482] : memref<25x32x8x128xi32, #tpu.memory_space<hbm>> -> memref<1x1x1x128xi32, #tpu.memory_space<hbm>>
        %dma_start3A_484 = tpu.memref_squeeze %dma_start3A_483 : memref<1x1x1x128xi32, #tpu.memory_space<hbm>> -> memref<128xi32, #tpu.memory_space<hbm>>
        %dma_start3A_485 = arith.constant 0 : i32
        %dma_start3A_486 = tpu.memref_slice %arg2[%shift_right_logical3A_479, %and3A_477, %and3A_481, %dma_start3A_485] : memref<25x32x8x128xi32, #tpu.memory_space<hbm>> -> memref<1x1x1x128xi32, #tpu.memory_space<hbm>>
        %dma_start3A_487 = tpu.memref_squeeze %dma_start3A_486 : memref<1x1x1x128xi32, #tpu.memory_space<hbm>> -> memref<128xi32, #tpu.memory_space<hbm>>
        tpu.enqueue_dma source(%dma_start3A_487 : memref<128xi32, #tpu.memory_space<hbm>>) target(%arg9 : memref<128xi32, #tpu.memory_space<vmem>>) target_semaphore(%arg30 : memref<!tpu.dma_semaphore, #tpu.memory_space<semaphore_mem>>)
      } else {
      }
      %gt3A_421 = arith.constant 0 : i32
      %gt3A_422 = arith.cmpi sgt, %scan3A_232, %gt3A_421 : i32
      %convert_element_type3A_423 = arith.extui %gt3A_422 : i1 to i32
      %cond3A_424 = arith.constant 0 : i32
      %cond3A_425 = arith.cmpi ne, %convert_element_type3A_423, %cond3A_424 : i32
      scf.if %cond3A_425 {
        %dma_wait3A_459 = arith.constant 0 : i32
        %dma_wait3A_460 = arith.constant 0 : i32
        %dma_wait3A_461 = arith.constant 0 : i32
        %dma_wait3A_462 = arith.constant 0 : i32
        %dma_wait3A_463 = arith.constant 0 : i32
        %dma_wait3A_464 = tpu.memref_slice %arg17[%dma_wait3A_461, %dma_wait3A_462, %dma_wait3A_463] : memref<8x8x129xf32, #tpu.memory_space<vmem>> -> memref<8x8x128xf32, #tpu.memory_space<vmem>>
        %dma_wait3A_465 = arith.constant 0 : i32
        %dma_wait3A_466 = arith.constant 0 : i32
        %dma_wait3A_467 = arith.constant 0 : i32
        %dma_wait3A_468 = tpu.memref_slice %arg5[%dma_wait3A_459, %dma_wait3A_465, %dma_wait3A_460, %dma_wait3A_466, %dma_wait3A_467] : memref<200x8x32x8x128xf32, #tpu.memory_space<hbm>> -> memref<1x8x1x8x128xf32, #tpu.memory_space<hbm>>
        %dma_wait3A_469 = tpu.memref_squeeze %dma_wait3A_468 : memref<1x8x1x8x128xf32, #tpu.memory_space<hbm>> -> memref<8x8x128xf32, #tpu.memory_space<hbm>>
        %dma_wait3A_470 = arith.constant 0 : i32
        %dma_wait3A_471 = arith.constant 0 : i32
        %dma_wait3A_472 = arith.constant 0 : i32
        %dma_wait3A_473 = tpu.memref_slice %arg5[%dma_wait3A_459, %dma_wait3A_470, %dma_wait3A_460, %dma_wait3A_471, %dma_wait3A_472] : memref<200x8x32x8x128xf32, #tpu.memory_space<hbm>> -> memref<1x8x1x8x128xf32, #tpu.memory_space<hbm>>
        %dma_wait3A_474 = tpu.memref_squeeze %dma_wait3A_473 : memref<1x8x1x8x128xf32, #tpu.memory_space<hbm>> -> memref<8x8x128xf32, #tpu.memory_space<hbm>>
        %dma_wait3A_475 = arith.constant 0 : i32
        %dma_wait3A_476 = arith.constant 0 : i32
        %dma_wait3A_477 = arith.constant 0 : i32
        %dma_wait3A_478 = tpu.memref_slice %arg17[%dma_wait3A_475, %dma_wait3A_476, %dma_wait3A_477] : memref<8x8x129xf32, #tpu.memory_space<vmem>> -> memref<8x8x128xf32, #tpu.memory_space<vmem>>
        tpu.wait_dma2 semaphore(%arg26 : memref<!tpu.dma_semaphore, #tpu.memory_space<semaphore_mem>>) src(%dma_wait3A_478 : memref<8x8x128xf32, #tpu.memory_space<vmem>>) dst(%dma_wait3A_474 : memref<8x8x128xf32, #tpu.memory_space<hbm>>)
      } else {
      }
      %get3A_426 = arith.index_cast %shift_right_logical3A_410 : i32 to index
      %get3A_427 = arith.constant 0 : index
      %get3A_428 = tpu.vector_load %arg18[%get3A_426, %get3A_427] {strides = array<i32>} : memref<200x64xf32, #tpu.memory_space<vmem>>, vector<16xf32>,
      %get3A_429 = arith.index_cast %shift_right_logical3A_410 : i32 to index
      %get3A_430 = arith.constant 16 : index
      %get3A_431 = tpu.vector_load %arg18[%get3A_429, %get3A_430] {strides = array<i32>} : memref<200x64xf32, #tpu.memory_space<vmem>>, vector<16xf32>,
      %get3A_432 = arith.index_cast %shift_right_logical3A_410 : i32 to index
      %get3A_433 = arith.constant 32 : index
      %get3A_434 = tpu.vector_load %arg18[%get3A_432, %get3A_433] {strides = array<i32>} : memref<200x64xf32, #tpu.memory_space<vmem>>, vector<16xf32>,
      %get3A_435 = arith.index_cast %shift_right_logical3A_410 : i32 to index
      %get3A_436 = arith.constant 48 : index
      %get3A_437 = tpu.vector_load %arg18[%get3A_435, %get3A_436] {strides = array<i32>} : memref<200x64xf32, #tpu.memory_space<vmem>>, vector<16xf32>,
      %parallel_loop3A_438 = arith.constant 0 : i32
      %parallel_loop3A_439 = arith.constant 128 : i32
      %parallel_loop3A_440 = arith.constant 1 : i32
      scf.for %parallel_loop3A_459 = %parallel_loop3A_438 to %parallel_loop3A_439 step %parallel_loop3A_440  : i32 {
        %parallel_loop3A_460 = arith.constant 0 : i32
        %parallel_loop3A_461 = vector.broadcast %parallel_loop3A_460 : i32 to vector<16xi32>
        %parallel_loop3A_462 = vector.broadcast %parallel_loop3A_459 : i32 to vector<16xi32>
        %parallel_loop3A_463 = arith.addi %parallel_loop3A_461, %parallel_loop3A_462 : vector<16xi32>
        %parallel_loop3A_464 = arith.index_cast %parallel_loop3A_459 : i32 to index
        %parallel_loop3A_465 = arith.constant 0 : index
        %parallel_loop3A_466 = tpu.vector_load %arg13[%parallel_loop3A_464, %parallel_loop3A_465] {strides = array<i32>} : memref<128x64xf32, #tpu.memory_space<vmem>>, vector<16xf32>,
        %parallel_loop3A_467 = arith.addf %parallel_loop3A_466, %get3A_428 : vector<16xf32>
        tpu.vector_store_idx %arg17[%shift_right_logical3A_7, %and3A_30, %parallel_loop3A_463], %parallel_loop3A_467 : memref<8x8x129xf32, #tpu.memory_space<vmem>>[vector<16xi32>, vector<16xi32>, vector<16xi32>], vector<16xf32>,
        %parallel_loop3A_468 = arith.index_cast %parallel_loop3A_459 : i32 to index
        %parallel_loop3A_469 = arith.constant 16 : index
        %parallel_loop3A_470 = tpu.vector_load %arg13[%parallel_loop3A_468, %parallel_loop3A_469] {strides = array<i32>} : memref<128x64xf32, #tpu.memory_space<vmem>>, vector<16xf32>,
        %parallel_loop3A_471 = arith.addf %parallel_loop3A_470, %get3A_431 : vector<16xf32>
        tpu.vector_store_idx %arg17[%shift_right_logical3A_13, %and3A_36, %parallel_loop3A_463], %parallel_loop3A_471 : memref<8x8x129xf32, #tpu.memory_space<vmem>>[vector<16xi32>, vector<16xi32>, vector<16xi32>], vector<16xf32>,
        %parallel_loop3A_472 = arith.index_cast %parallel_loop3A_459 : i32 to index
        %parallel_loop3A_473 = arith.constant 32 : index
        %parallel_loop3A_474 = tpu.vector_load %arg13[%parallel_loop3A_472, %parallel_loop3A_473] {strides = array<i32>} : memref<128x64xf32, #tpu.memory_space<vmem>>, vector<16xf32>,
        %parallel_loop3A_475 = arith.addf %parallel_loop3A_474, %get3A_434 : vector<16xf32>
        tpu.vector_store_idx %arg17[%shift_right_logical3A_19, %and3A_42, %parallel_loop3A_463], %parallel_loop3A_475 : memref<8x8x129xf32, #tpu.memory_space<vmem>>[vector<16xi32>, vector<16xi32>, vector<16xi32>], vector<16xf32>,
        %parallel_loop3A_476 = arith.index_cast %parallel_loop3A_459 : i32 to index
        %parallel_loop3A_477 = arith.constant 48 : index
        %parallel_loop3A_478 = tpu.vector_load %arg13[%parallel_loop3A_476, %parallel_loop3A_477] {strides = array<i32>} : memref<128x64xf32, #tpu.memory_space<vmem>>, vector<16xf32>,
        %parallel_loop3A_479 = arith.addf %parallel_loop3A_478, %get3A_437 : vector<16xf32>
        tpu.vector_store_idx %arg17[%shift_right_logical3A_25, %and3A_48, %parallel_loop3A_463], %parallel_loop3A_479 : memref<8x8x129xf32, #tpu.memory_space<vmem>>[vector<16xi32>, vector<16xi32>, vector<16xi32>], vector<16xf32>,
      } {sc.loop_unroll_factor = 4 : i64, sc.parallel_access}
      %dma_start3A_441 = arith.constant 0 : i32
      %dma_start3A_442 = arith.constant 0 : i32
      %dma_start3A_443 = arith.constant 0 : i32
      %dma_start3A_444 = tpu.memref_slice %arg17[%dma_start3A_441, %dma_start3A_442, %dma_start3A_443] : memref<8x8x129xf32, #tpu.memory_space<vmem>> -> memref<8x8x128xf32, #tpu.memory_space<vmem>>
      %dma_start3A_445 = arith.constant 0 : i32
      %dma_start3A_446 = arith.constant 0 : i32
      %dma_start3A_447 = arith.constant 0 : i32
      %dma_start3A_448 = tpu.memref_slice %arg5[%shift_right_logical3A_410, %dma_start3A_445, %and3A_412, %dma_start3A_446, %dma_start3A_447] : memref<200x8x32x8x128xf32, #tpu.memory_space<hbm>> -> memref<1x8x1x8x128xf32, #tpu.memory_space<hbm>>
      %dma_start3A_449 = tpu.memref_squeeze %dma_start3A_448 : memref<1x8x1x8x128xf32, #tpu.memory_space<hbm>> -> memref<8x8x128xf32, #tpu.memory_space<hbm>>
      %dma_start3A_450 = arith.constant 0 : i32
      %dma_start3A_451 = arith.constant 0 : i32
      %dma_start3A_452 = arith.constant 0 : i32
      %dma_start3A_453 = tpu.memref_slice %arg5[%shift_right_logical3A_410, %dma_start3A_450, %and3A_412, %dma_start3A_451, %dma_start3A_452] : memref<200x8x32x8x128xf32, #tpu.memory_space<hbm>> -> memref<1x8x1x8x128xf32, #tpu.memory_space<hbm>>
      %dma_start3A_454 = tpu.memref_squeeze %dma_start3A_453 : memref<1x8x1x8x128xf32, #tpu.memory_space<hbm>> -> memref<8x8x128xf32, #tpu.memory_space<hbm>>
      %dma_start3A_455 = arith.constant 0 : i32
      %dma_start3A_456 = arith.constant 0 : i32
      %dma_start3A_457 = arith.constant 0 : i32
      %dma_start3A_458 = tpu.memref_slice %arg17[%dma_start3A_455, %dma_start3A_456, %dma_start3A_457] : memref<8x8x129xf32, #tpu.memory_space<vmem>> -> memref<8x8x128xf32, #tpu.memory_space<vmem>>
      tpu.enqueue_dma source(%dma_start3A_458 : memref<8x8x128xf32, #tpu.memory_space<vmem>>) target(%dma_start3A_454 : memref<8x8x128xf32, #tpu.memory_space<hbm>>) target_semaphore(%arg26 : memref<!tpu.dma_semaphore, #tpu.memory_space<semaphore_mem>>)
    }
    %scan3A_151 = arith.constant 50 : i32
    %dma_wait3A_152 = arith.constant 0 : i32
    %dma_wait3A_153 = arith.constant 0 : i32
    %dma_wait3A_154 = arith.constant 0 : i32
    %dma_wait3A_155 = arith.constant 0 : i32
    %dma_wait3A_156 = arith.constant 0 : i32
    %dma_wait3A_157 = tpu.memref_slice %arg14[%dma_wait3A_154, %dma_wait3A_155, %dma_wait3A_156] : memref<8x8x129xf32, #tpu.memory_space<vmem>> -> memref<8x8x128xf32, #tpu.memory_space<vmem>>
    %dma_wait3A_158 = arith.constant 0 : i32
    %dma_wait3A_159 = arith.constant 0 : i32
    %dma_wait3A_160 = arith.constant 0 : i32
    %dma_wait3A_161 = tpu.memref_slice %arg5[%dma_wait3A_152, %dma_wait3A_158, %dma_wait3A_153, %dma_wait3A_159, %dma_wait3A_160] : memref<200x8x32x8x128xf32, #tpu.memory_space<hbm>> -> memref<1x8x1x8x128xf32, #tpu.memory_space<hbm>>
    %dma_wait3A_162 = tpu.memref_squeeze %dma_wait3A_161 : memref<1x8x1x8x128xf32, #tpu.memory_space<hbm>> -> memref<8x8x128xf32, #tpu.memory_space<hbm>>
    %dma_wait3A_163 = arith.constant 0 : i32
    %dma_wait3A_164 = arith.constant 0 : i32
    %dma_wait3A_165 = arith.constant 0 : i32
    %dma_wait3A_166 = tpu.memref_slice %arg5[%dma_wait3A_152, %dma_wait3A_163, %dma_wait3A_153, %dma_wait3A_164, %dma_wait3A_165] : memref<200x8x32x8x128xf32, #tpu.memory_space<hbm>> -> memref<1x8x1x8x128xf32, #tpu.memory_space<hbm>>
    %dma_wait3A_167 = tpu.memref_squeeze %dma_wait3A_166 : memref<1x8x1x8x128xf32, #tpu.memory_space<hbm>> -> memref<8x8x128xf32, #tpu.memory_space<hbm>>
    %dma_wait3A_168 = arith.constant 0 : i32
    %dma_wait3A_169 = arith.constant 0 : i32
    %dma_wait3A_170 = arith.constant 0 : i32
    %dma_wait3A_171 = tpu.memref_slice %arg14[%dma_wait3A_168, %dma_wait3A_169, %dma_wait3A_170] : memref<8x8x129xf32, #tpu.memory_space<vmem>> -> memref<8x8x128xf32, #tpu.memory_space<vmem>>
    tpu.wait_dma2 semaphore(%arg23 : memref<!tpu.dma_semaphore, #tpu.memory_space<semaphore_mem>>) src(%dma_wait3A_171 : memref<8x8x128xf32, #tpu.memory_space<vmem>>) dst(%dma_wait3A_167 : memref<8x8x128xf32, #tpu.memory_space<hbm>>)
    %dma_wait3A_172 = arith.constant 0 : i32
    %dma_wait3A_173 = arith.constant 0 : i32
    %dma_wait3A_174 = arith.constant 0 : i32
    %dma_wait3A_175 = arith.constant 0 : i32
    %dma_wait3A_176 = arith.constant 0 : i32
    %dma_wait3A_177 = tpu.memref_slice %arg15[%dma_wait3A_174, %dma_wait3A_175, %dma_wait3A_176] : memref<8x8x129xf32, #tpu.memory_space<vmem>> -> memref<8x8x128xf32, #tpu.memory_space<vmem>>
    %dma_wait3A_178 = arith.constant 0 : i32
    %dma_wait3A_179 = arith.constant 0 : i32
    %dma_wait3A_180 = arith.constant 0 : i32
    %dma_wait3A_181 = tpu.memref_slice %arg5[%dma_wait3A_172, %dma_wait3A_178, %dma_wait3A_173, %dma_wait3A_179, %dma_wait3A_180] : memref<200x8x32x8x128xf32, #tpu.memory_space<hbm>> -> memref<1x8x1x8x128xf32, #tpu.memory_space<hbm>>
    %dma_wait3A_182 = tpu.memref_squeeze %dma_wait3A_181 : memref<1x8x1x8x128xf32, #tpu.memory_space<hbm>> -> memref<8x8x128xf32, #tpu.memory_space<hbm>>
    %dma_wait3A_183 = arith.constant 0 : i32
    %dma_wait3A_184 = arith.constant 0 : i32
    %dma_wait3A_185 = arith.constant 0 : i32
    %dma_wait3A_186 = tpu.memref_slice %arg5[%dma_wait3A_172, %dma_wait3A_183, %dma_wait3A_173, %dma_wait3A_184, %dma_wait3A_185] : memref<200x8x32x8x128xf32, #tpu.memory_space<hbm>> -> memref<1x8x1x8x128xf32, #tpu.memory_space<hbm>>
    %dma_wait3A_187 = tpu.memref_squeeze %dma_wait3A_186 : memref<1x8x1x8x128xf32, #tpu.memory_space<hbm>> -> memref<8x8x128xf32, #tpu.memory_space<hbm>>
    %dma_wait3A_188 = arith.constant 0 : i32
    %dma_wait3A_189 = arith.constant 0 : i32
    %dma_wait3A_190 = arith.constant 0 : i32
    %dma_wait3A_191 = tpu.memref_slice %arg15[%dma_wait3A_188, %dma_wait3A_189, %dma_wait3A_190] : memref<8x8x129xf32, #tpu.memory_space<vmem>> -> memref<8x8x128xf32, #tpu.memory_space<vmem>>
    tpu.wait_dma2 semaphore(%arg24 : memref<!tpu.dma_semaphore, #tpu.memory_space<semaphore_mem>>) src(%dma_wait3A_191 : memref<8x8x128xf32, #tpu.memory_space<vmem>>) dst(%dma_wait3A_187 : memref<8x8x128xf32, #tpu.memory_space<hbm>>)
    %dma_wait3A_192 = arith.constant 0 : i32
    %dma_wait3A_193 = arith.constant 0 : i32
    %dma_wait3A_194 = arith.constant 0 : i32
    %dma_wait3A_195 = arith.constant 0 : i32
    %dma_wait3A_196 = arith.constant 0 : i32
    %dma_wait3A_197 = tpu.memref_slice %arg16[%dma_wait3A_194, %dma_wait3A_195, %dma_wait3A_196] : memref<8x8x129xf32, #tpu.memory_space<vmem>> -> memref<8x8x128xf32, #tpu.memory_space<vmem>>
    %dma_wait3A_198 = arith.constant 0 : i32
    %dma_wait3A_199 = arith.constant 0 : i32
    %dma_wait3A_200 = arith.constant 0 : i32
    %dma_wait3A_201 = tpu.memref_slice %arg5[%dma_wait3A_192, %dma_wait3A_198, %dma_wait3A_193, %dma_wait3A_199, %dma_wait3A_200] : memref<200x8x32x8x128xf32, #tpu.memory_space<hbm>> -> memref<1x8x1x8x128xf32, #tpu.memory_space<hbm>>
    %dma_wait3A_202 = tpu.memref_squeeze %dma_wait3A_201 : memref<1x8x1x8x128xf32, #tpu.memory_space<hbm>> -> memref<8x8x128xf32, #tpu.memory_space<hbm>>
    %dma_wait3A_203 = arith.constant 0 : i32
    %dma_wait3A_204 = arith.constant 0 : i32
    %dma_wait3A_205 = arith.constant 0 : i32
    %dma_wait3A_206 = tpu.memref_slice %arg5[%dma_wait3A_192, %dma_wait3A_203, %dma_wait3A_193, %dma_wait3A_204, %dma_wait3A_205] : memref<200x8x32x8x128xf32, #tpu.memory_space<hbm>> -> memref<1x8x1x8x128xf32, #tpu.memory_space<hbm>>
    %dma_wait3A_207 = tpu.memref_squeeze %dma_wait3A_206 : memref<1x8x1x8x128xf32, #tpu.memory_space<hbm>> -> memref<8x8x128xf32, #tpu.memory_space<hbm>>
    %dma_wait3A_208 = arith.constant 0 : i32
    %dma_wait3A_209 = arith.constant 0 : i32
    %dma_wait3A_210 = arith.constant 0 : i32
    %dma_wait3A_211 = tpu.memref_slice %arg16[%dma_wait3A_208, %dma_wait3A_209, %dma_wait3A_210] : memref<8x8x129xf32, #tpu.memory_space<vmem>> -> memref<8x8x128xf32, #tpu.memory_space<vmem>>
    tpu.wait_dma2 semaphore(%arg25 : memref<!tpu.dma_semaphore, #tpu.memory_space<semaphore_mem>>) src(%dma_wait3A_211 : memref<8x8x128xf32, #tpu.memory_space<vmem>>) dst(%dma_wait3A_207 : memref<8x8x128xf32, #tpu.memory_space<hbm>>)
    %dma_wait3A_212 = arith.constant 0 : i32
    %dma_wait3A_213 = arith.constant 0 : i32
    %dma_wait3A_214 = arith.constant 0 : i32
    %dma_wait3A_215 = arith.constant 0 : i32
    %dma_wait3A_216 = arith.constant 0 : i32
    %dma_wait3A_217 = tpu.memref_slice %arg17[%dma_wait3A_214, %dma_wait3A_215, %dma_wait3A_216] : memref<8x8x129xf32, #tpu.memory_space<vmem>> -> memref<8x8x128xf32, #tpu.memory_space<vmem>>
    %dma_wait3A_218 = arith.constant 0 : i32
    %dma_wait3A_219 = arith.constant 0 : i32
    %dma_wait3A_220 = arith.constant 0 : i32
    %dma_wait3A_221 = tpu.memref_slice %arg5[%dma_wait3A_212, %dma_wait3A_218, %dma_wait3A_213, %dma_wait3A_219, %dma_wait3A_220] : memref<200x8x32x8x128xf32, #tpu.memory_space<hbm>> -> memref<1x8x1x8x128xf32, #tpu.memory_space<hbm>>
    %dma_wait3A_222 = tpu.memref_squeeze %dma_wait3A_221 : memref<1x8x1x8x128xf32, #tpu.memory_space<hbm>> -> memref<8x8x128xf32, #tpu.memory_space<hbm>>
    %dma_wait3A_223 = arith.constant 0 : i32
    %dma_wait3A_224 = arith.constant 0 : i32
    %dma_wait3A_225 = arith.constant 0 : i32
    %dma_wait3A_226 = tpu.memref_slice %arg5[%dma_wait3A_212, %dma_wait3A_223, %dma_wait3A_213, %dma_wait3A_224, %dma_wait3A_225] : memref<200x8x32x8x128xf32, #tpu.memory_space<hbm>> -> memref<1x8x1x8x128xf32, #tpu.memory_space<hbm>>
    %dma_wait3A_227 = tpu.memref_squeeze %dma_wait3A_226 : memref<1x8x1x8x128xf32, #tpu.memory_space<hbm>> -> memref<8x8x128xf32, #tpu.memory_space<hbm>>
    %dma_wait3A_228 = arith.constant 0 : i32
    %dma_wait3A_229 = arith.constant 0 : i32
    %dma_wait3A_230 = arith.constant 0 : i32
    %dma_wait3A_231 = tpu.memref_slice %arg17[%dma_wait3A_228, %dma_wait3A_229, %dma_wait3A_230] : memref<8x8x129xf32, #tpu.memory_space<vmem>> -> memref<8x8x128xf32, #tpu.memory_space<vmem>>
    tpu.wait_dma2 semaphore(%arg26 : memref<!tpu.dma_semaphore, #tpu.memory_space<semaphore_mem>>) src(%dma_wait3A_231 : memref<8x8x128xf32, #tpu.memory_space<vmem>>) dst(%dma_wait3A_227 : memref<8x8x128xf32, #tpu.memory_space<hbm>>)
    return
  }
}

</mosaic_0001>

<sc_bundles>
// kernel: _embed.3.cloned.1.call-start
scs
__scs_entry_jumppad:
0x0: {  	(pc) =	sbr.rel $0x88, $3  }
0x1: {  	(tag) =	ssettag $0x0;
	lr =	simm.s32 $0x1  }
0x2: {  	[smem:$0x3F9E] =	sst lr;
	_ =	strace $0xD0000000  }
0x3: {  	_ = 	snop  }
0x4: {  	_ = 	snop  }
0x5: {  	_ = 	snop  }
0x6: {  	_ = 	snop  }
0x7: {  	_ = 	snop  }
__scs_overlays_trampoline_lowered:
0x8: {  	[smem:$0x3FAD] =	sst s0  }
0x9: {  	[smem:$0x3FAE] =	sst s1  }
0xa: {  	[smem:$0x3FAF] =	sst s2  }
0xb: {  	[smem:$0x3FB0] =	sst s3  }
0xc: {  	[smem:$0x3FB1] =	sst s4  }
0xd: {  	[smem:$0x3FB2] =	sst s5  }
0xe: {  	[smem:$0x3FB3] =	sst s6  }
0xf: {  	[smem:$0x3FB4] =	sst s7  }
0x10: {  	[smem:$0x3FB5] =	sst s8  }
0x11: {  	[smem:$0x3FB6] =	sst s9;
	s0 =	simm.s32 @!p0 $0x0  }
0x12: {  	s1 =	sld [smem:$0x3F9C];
	s0 =	simm.s32 @p0 $0x1  }
0x13: {  	[smem:$0x3FB7] =	sst s0;
	s0 =	simm.s32 @!p1 $0x0  }
0x14: {  	s2 =	sld [smem:$0x3F9B];
	s0 =	simm.s32 @p1 $0x1  }
0x15: {  	[smem:$0x3FB8] =	sst s0;
	s0 =	simm.s32 @!p2 $0x0  }
0x16: {  	s3 =	sld [smem:$0x3FDB];
	s0 =	simm.s32 @p2 $0x1  }
0x17: {  	s4 =	simm.s32 $0x1BF5;
	[smem:$0x3FBA] =	sst s0  }
0x18: {  	s0 =	sld [smem:$0x3F9D];
	_ =	swait.ge [sflag:s4], $0x0  }
0x19: {  	s7 =	sld [smem:$0x3F9E]  }
0x1a: {  	s8 =	sadd.s32 $0xFFFFE003, lr  }
0x1b: {  	s9 =	sadd.s32 $0xFFFFFEF7, lr;
	s5 =	simm.s32 $0xFFFFFFFF;
	p2 =	slt.u32 s8, $0xFFFFF086  }
0x1c: {  	p1 =	slt.u32 s9, $0xF7A;
	s5 =	simm.s32 @!p2 $0x0  }
0x1d: {  	s5 =	simm.s32 @p1 $0x1;
	p0 =	seq.s32 s7, s2  }
0x1e: {  	s7 =	smul.u32 @!p0 $0xF7A, s2;
	p2 =	seq.s32 @!p0 s5, $0x0  }
0x1f: {  	s9 =	smul.u32 $0xF7A, s1;
	s8 =	simm.s32 @!p0 $0x1BF5;
	p2 =	por !p2, p0  }
0x20: {  	[sflag:s8] =	ssyncset.s32 @!p0 $0xFFFFF086;
	s6 =	sadd.s32 @!p0 s3, s7;
	s7 =	simm.s32 @!p0 $0x108  }
0x21: {  	s3 =	sadd.s32 s3, s9;
	s6 =	sadd.s32 @!p0 $0x88, s6;
	s7 =	simm.s32 @p2 $0x1082  }
0x22: {  	[simem:s7], [sflag:s8] =	dma.local @!p0 [hbm:s6], $0xF7A  }
0x23: {  	s9 =	sor.u32 $0xD0000000, s2;
	s6 =	simm.s32 $0x108;
	_ =	swait.ge @!p0 [sflag:s8], $0x0  }
0x24: {  	s3 =	sadd.s32 $0x88, s3;
	s6 =	simm.s32 @!p1 $0x1082;
	[sflag:s4] =	ssyncset.s32 $0xFFFFF086  }
0x25: {  	[simem:s6], [sflag:s4] =	dma.local [hbm:s3], $0xF7A  }
0x26: {  	[smem:$0x3F9E] =	sst s1;
	(tag) =	ssettag s2;
	_ =	strace s9  }
0x27: {  	s1 =	sld [smem:$0x3FAE]  }
0x28: {  	s2 =	sld [smem:$0x3FAF]  }
0x29: {  	s4 =	sld [smem:$0x3FB1]  }
0x2a: {  	p0 =	seq.s32 s5, $0x0;
	s5 =	sld [smem:$0x3FB2]  }
0x2b: {  	s6 =	sld [smem:$0x3FB3]  }
0x2c: {  	s7 =	sld [smem:$0x3FB4]  }
0x2d: {  	s3 =	simm.s32 $0x108;
	s8 =	sld [smem:$0x3FB5]  }
0x2e: {  	s3 =	simm.s32 @!p0 $0x1082;
	s9 =	sld [smem:$0x3FB6]  }
0x2f: {  	lr =	sadd.s32 s0, s3;
	s0 =	sld [smem:$0x3FAD]  }
0x30: {  	s3 =	sld [smem:$0x3FB0]  }
0x31: {  	[smem:$0x3FB9] =	sst s10  }
0x32: {  	s10 =	sld [smem:$0x3FB7];
	_ =	sdelay $0x3  }
0x33: {  	p0 =	seq.s32 s10, $0x1;
	s10 =	sld [smem:$0x3FB9];
	_ =	sdelay $0x3  }
0x34: {  	[smem:$0x3FB9] =	sst s10  }
0x35: {  	s10 =	sld [smem:$0x3FB8];
	_ =	sdelay $0x3  }
0x36: {  	p1 =	seq.s32 s10, $0x1;
	s10 =	sld [smem:$0x3FB9];
	_ =	sdelay $0x3  }
0x37: {  	[smem:$0x3FB9] =	sst s10  }
0x38: {  	s10 =	sld [smem:$0x3FBA]  }
0x39: {  	_ = 	snop;
	(pc) =	sbr.ind lr, $3  }
0x3a: {  	_ = 	snop  }
0x3b: {  	_ = 	snop  }
0x3c: {  	p2 =	seq.s32 s10, $0x1;
	s10 =	sld [smem:$0x3FB9]  }
0x3d: {  	_ =	shalt  }
0x3e: {  	_ =	shalt  }
0x3f: {  	_ =	shalt  }
0x40: {  	_ =	shalt  }
0x41: {  	_ =	shalt  }
0x42: {  	_ =	shalt  }
0x43: {  	_ =	shalt  }
0x44: {  	_ =	shalt  }
0x45: {  	_ =	shalt  }
0x46: {  	_ =	shalt  }
0x47: {  	_ =	shalt  }
0x48: {  	_ =	shalt  }
0x49: {  	_ =	shalt  }
0x4a: {  	_ =	shalt  }
0x4b: {  	_ =	shalt  }
0x4c: {  	_ =	shalt  }
0x4d: {  	_ =	shalt  }
0x4e: {  	_ =	shalt  }
0x4f: {  	_ =	shalt  }
0x50: {  	_ =	shalt  }
0x51: {  	_ =	shalt  }
0x52: {  	_ =	shalt  }
0x53: {  	_ =	shalt  }
0x54: {  	_ =	shalt  }
0x55: {  	_ =	shalt  }
0x56: {  	_ =	shalt  }
0x57: {  	_ =	shalt  }
0x58: {  	_ =	shalt  }
0x59: {  	_ =	shalt  }
0x5a: {  	_ =	shalt  }
0x5b: {  	_ =	shalt  }
0x5c: {  	_ =	shalt  }
0x5d: {  	_ =	shalt  }
0x5e: {  	_ =	shalt  }
0x5f: {  	_ =	shalt  }
0x60: {  	_ =	shalt  }
0x61: {  	_ =	shalt  }
0x62: {  	_ =	shalt  }
0x63: {  	_ =	shalt  }
0x64: {  	_ =	shalt  }
0x65: {  	_ =	shalt  }
0x66: {  	_ =	shalt  }
0x67: {  	_ =	shalt  }
0x68: {  	_ =	shalt  }
0x69: {  	_ =	shalt  }
0x6a: {  	_ =	shalt  }
0x6b: {  	_ =	shalt  }
0x6c: {  	_ =	shalt  }
0x6d: {  	_ =	shalt  }
0x6e: {  	_ =	shalt  }
0x6f: {  	_ =	shalt  }
0x70: {  	_ =	shalt  }
0x71: {  	_ =	shalt  }
0x72: {  	_ =	shalt  }
0x73: {  	_ =	shalt  }
0x74: {  	_ =	shalt  }
0x75: {  	_ =	shalt  }
0x76: {  	_ =	shalt  }
0x77: {  	_ =	shalt  }
0x78: {  	_ =	shalt  }
0x79: {  	_ =	shalt  }
0x7a: {  	_ =	shalt  }
0x7b: {  	_ =	shalt  }
0x7c: {  	_ =	shalt  }
0x7d: {  	_ =	shalt  }
0x7e: {  	_ =	shalt  }
0x7f: {  	_ =	shalt  }
0x80: {  	_ =	shalt  }
0x81: {  	_ =	shalt  }
0x82: {  	_ =	shalt  }
0x83: {  	_ =	shalt  }
0x84: {  	_ =	shalt  }
0x85: {  	_ =	shalt  }
0x86: {  	_ =	shalt  }
0x87: {  	_ =	shalt  }
.Lfunc_end0:
.L_simem_size_0:
called_computation_lowered:
.L_overlay_start_0:
0x88: {  	s2 =	sld [smem:$0x3FD9]  }
0x89: {  	s3 =	sld [smem:$0x3FFE];
	_ =	sdelay $0x1  }
0x8a: {  	s1 =	srdreg.scid  }
0x8b: {  	s0 =	sand.u32 $0x1, s1  }
0x8c: {  	s17 =	sshll.u32 s0, $0xA;
	s2 =	sadd.s32 s3, s2  }
0x8d: {  	s2 =	sadd.s32 s2, s17  }
0x8e: {  	[smem:$0x3FC5] =	sst s2  }
0x8f: {  	_ = 	snop  }
0x90: {  	s2 =	sld [smem:$0x3FC9]  }
0x91: {  	s18 =	sld [smem:$0x3FD0];
	(tm) =	ssettm $0x1  }
0x92: {  	s4 =	sld [smem:$0x3FFB];
	_ =	sdelay $0x3  }
0x93: {  	_ =	strace s4  }
0x94: {  	s4 =	sld [smem:$0x3FFC];
	_ =	sdelay $0x3  }
0x95: {  	_ =	strace s4  }
0x96: {  	s4 =	sld [smem:$0x3FFD];
	_ =	sdelay $0x3  }
0x97: {  	_ =	strace s4  }
0x98: {  	_ =	strace $0x8FFFFFFF  }
0x99: {  	s19 =	sld [smem:$0x3FDB];
	_ =	sdelay $0x1  }
0x9a: {  	s5 =	simm.s32 $_scs_section_size  }
0x9b: {  	s6 =	simm.s32 $_size__tile_overlayer_lowered;
	s7 =	simm.s32 $_tile_overlayer_lowered  }
0x9c: {  	s22 =	simm.s32 $0x1BFF;
	s21 =	sshll.u32 s7, $0x1;
	s4 =	sadd.s32 s5, s19  }
0x9d: {  	s8 =	simm.s32 $0x0;
	s20 =	sshll.u32 s6, $0x1;
	s6 =	sadd.s32 s21, s4  }
0x9e: {  	[timem:s8], [sflag:s22] =	dma.local [hbm:s6], s20  }
0x9f: {  	_ =	swait.ge [sflag:s22], s20  }
0xa0: {  	s5 =	ssub.s32 $0x0, s20;
	[sflag:s22] =	ssyncset.done $0x0  }
0xa1: {  	[sflag:s22] =	ssyncadd.s32 s5;
	_ =	sdelay $0x1  }
0xa2: {  	s23 =	simm.s32 $0x1B8B  }
0xa3: {  	_ =	swait.ge [sflag:s23], $0x1  }
0xa4: {  	[sflag:s23] =	ssyncset.done $0x0  }
0xa5: {  	s25 =	simm.s32 $0x1B8E;
	s24 =	sld [smem:$0x3FFE];
	[sflag:s23] =	ssyncadd.s32 $0xFFFFFFFF  }
0xa6: {  	s26 =	simm.s32 $execute0_lowered;
	[smem:$0x3FD2] =	sst s25  }
0xa7: {  	s6 =	sshll.u32 s26, $0x1;
	_ =	strace $0x80000046;
	[dreg:$0x1] =	wrdreg $0xFFFFFFFF  }
0xa8: {  	s28 =	simm.s32 $_size_execute0_lowered;
	s4 =	sadd.s32 s4, s6;
	[dreg:$0x0] =	wrdreg $0x0  }
0xa9: {  	s6 =	sshll.u32 s28, $0x1;
	[dreg:$0x2] =	wrdreg s4  }
0xaa: {  	[dreg:$0x3] =	wrdreg s6  }
0xab: {  	[dreg:$0x4] =	wrdreg $0xC0  }
0xac: {  	_ =	task [dreg:s8], $0x5FFFF  }
0xad: {  	[dreg:$0x1] =	wrdreg $0xFFFFFFFF  }
0xae: {  	[dreg:$0x0] =	wrdreg $0x60  }
0xaf: {  	[dreg:$0x2] =	wrdreg s2  }
0xb0: {  	[dreg:$0x3] =	wrdreg s24  }
0xb1: {  	[dreg:$0x4] =	wrdreg s18  }
0xb2: {  	[dreg:$0x5] =	wrdreg $0x9  }
0xb3: {  	_ =	task.clear_ibuf [dreg:s8], $0x6FFFF;
	_ =	strace $0x90000046  }
0xb4: {  	s29 =	simm.s32 $0x9;
	_ =	strace $0x80000048  }
0xb5: {  	_ =	swait.ge [sflag:s29], $0x1  }
0xb6: {  	[sflag:s29] =	ssyncadd.s32 $0xFFFFFFFF  }
0xb7: {  	_ =	strace $0x90000048  }
0xb8: {  	_ =	sfence  }
0xb9: {  	s30 =	sld [smem:$0x0];
	_ =	sdelay $0x2  }
0xba: {  	s31 =	sshll.u32 s1, $0xD;
	s1 =	sshrl.u32 s1, $0x2  }
0xbb: {  	s3 =	sand.u32 $0x4000, s31;
	s1 =	sadd.s32 s1, s30  }
0xbc: {  	s0 =	sor.u32 s3, s0;
	s1 =	sshll.u32 s1, $0x11  }
0xbd: {  	s0 =	sor.u32 s1, s0  }
0xbe: {  	s0 =	sadd.s32 $0x8F2B, s0  }
0xbf: {  	[sflag:s0] =	ssyncadd.remote.s32 $0x1  }
0xc0: {  	_ =	sfence.sel $0xFFFF  }
0xc1: {  	[dreg:$0x0] =	wrdreg $0xFFFFFFFF;
	(pc) =	sbr.abs _section_cstart, $3  }
0xc2: {  	[dreg:$0x1] =	wrdreg $0xFFFFFFFF  }
0xc3: {  	_ =	task.clear_ibuf [dreg:s8], $0x2FFFF;
	_ =	strace $0x9FFFFFFF  }
0xc4: {  	(tm) =	ssettm $0x7FFFFFFF  }
0xc5: {  	_ =	shalt  }
tec
execute0_lowered:
.L_overlay_start_1:
0x0: {  	(tag) =	ssettag $0x1  }
0x1: {  	s1 =	rddreg [dreg:$0x0]  }
0x2: {  	s0 =	srdreg.scid;
	s7 =	rddreg [dreg:$0x1]  }
0x3: {  	s2 =	stileid.u32;
	s3 =	rddreg [dreg:$0x2];
	s4 =	simm.s32 $0x0  }
0x4: {  	s19 =	simm.s32 $0x80;
	s28 =	simm.s32 $0x180;
	s29 =	simm.s32 $0x1  }
0x5: {  	s30 =	simm.s32 $0xC;
	s17 =	simm.s32 $0xA400;
	s22 =	simm.s32 $0x3  }
0x6: {  	s20 =	simm.s32 $0xE800;
	s0 =	sand.u32 $0x1, s0;
	s2 =	sshll.u32 s2, $0x1  }
0x7: {  	s10 =	simm.s32 $0x0;
	[smem:$0x7FF] =	sst s4;
	s2 =	sor.u32 s0, s2  }
0x8: {  	_ =	strace $0x80000047;
	s0 =	ssub.s32 $0x2, s0;
	s5 =	smul.u32 $0x6400, s2  }
0x9: {  	s6 =	sshll.u32 s2, $0xD;
	s8 =	smul.u32 $0x320, s2;
	s9 =	sshrl.u32 s0, $0x1  }
0xa: {  	s6 =	sand.u32 $0x6000, s6;
	s0 =	ssub.s32 s0, s9;
	s5 =	sand.u32 $0xF8000, s5  }
0xb: {  	s23 =	sand.u32 $0x380, s8;
	s0 =	smax.u32 s0, $0x1;
	s5 =	sor.u32 s6, s5  }
0xc: {  	s8 =	simm.s32 $0x5;
	[dreg:$0x9] =	wrdreg s0;
	s6 =	sor.u32 s23, s5  }
0xd: {  	s0 =	simm.s32 $0x2;
	s5 =	sadd.s32 $0xC00, s7;
	s24 =	sshrl.u32 s6, $0x3  }
0xe: {  	s7 =	sadd.s32 $0x400, s7;
	s6 =	smul.u32 $0xC8, s2;
	s25 =	sadd.s32 s1, s24  }
0xf: {  	[dreg:$0x5] =	wrdreg s7;
	s24 =	simm.s32 $0xC600;
	s26 =	sadd.s32 $0x80, s25  }
0x10: {  	v0 =	vlaneseq.u32;
	s31 =	sadd.s32 $0x100, s25;
	[dreg:$0x4] =	wrdreg s25;
	s2 =	sadd.s32 $0x180, s25  }
0x11: {  	v0 =	vmul.u32 $0x88, v0;
	s12 =	sor.u32 $0x4, s6;
	s13 =	sor.u32 $0x5, s6;
	[dreg:$0x6] =	wrdreg s26  }
0x12: {  	s14 =	sor.u32 $0x6, s6;
	s15 =	sor.u32 $0x7, s6;
	[dreg:$0x7] =	wrdreg s31  }
0x13: {  	v1 =	vadd.s32 $0x880, v0;
	v2 =	vadd.s32 $0x1100, v0;
	v3 =	vadd.s32 $0x1980, v0;
	[dreg:$0x8] =	wrdreg s2;
	s2 =	simm.s32 $0x8200;
	s26 =	simm.s32 $0x4  }
.LBB2_1:
0x14: {  	[dreg:$0xa] =	wrdreg s10  }
0x15: {  	s7 =	rddreg [dreg:$0x5];
	s9 =	simm.s32 $0x10A00;
	s23 =	simm.s32 $0xD  }
0x16: {  	[tilespmem:s9], [sflag:$0xD] =	stream.linear.gather [hbm4b:s7+s4], $0x3200, $0x38;
	[tilespmem:$0x13C00] =	vst v63  }
0x17: {  	_ =	swait.ge [sflag:s23], $0x3200  }
0x18: {  	[sflag:s23] =	ssyncset.done $0x0  }
0x19: {  	s25 =	rddreg [dreg:$0x4];
	[sflag:s23] =	ssyncadd.s32 $0xFFFFCE00  }
0x1a: {  	[tilespmem:s4], [sflag:$0x9] =	stream.linear.gather [hbm4b:s25+s4], $0x80, $0x38;
	[tilespmem:$0x13C00] =	vst v63  }
0x1b: {  	s31 =	rddreg [dreg:$0x6]  }
0x1c: {  	[tilespmem:s19], [sflag:$0xA] =	stream.linear.gather [hbm4b:s31+s4], $0x80, $0x38;
	[tilespmem:$0x13C00] =	vst v63  }
0x1d: {  	s10 =	simm.s32 $0x100;
	s11 =	simm.s32 $0x9;
	s9 =	rddreg [dreg:$0x7]  }
0x1e: {  	[tilespmem:s10], [sflag:$0xB] =	stream.linear.gather [hbm4b:s9+s4], $0x80, $0x38;
	[tilespmem:$0x13C00] =	vst v63  }
0x1f: {  	_ =	swait.ge [sflag:s11], $0x80  }
0x20: {  	[sflag:s11] =	ssyncset.done $0x0  }
0x21: {  	s16 =	simm.s32 $0x200;
	s18 =	simm.s32 $0xA;
	[sflag:s11] =	ssyncadd.s32 $0xFFFFFF80  }
0x22: {  	[tilespmem:s16], [sflag:$0x1] =	stream.indirect.gather [hbm4b:s5+s19], $0x40, s4, s19, $0xb8;
	[tilespmem:$0x13C00] =	vst v63  }
0x23: {  	_ =	swait.ge [sflag:s18], $0x80  }
0x24: {  	[sflag:s18] =	ssyncset.done $0x0  }
0x25: {  	s21 =	simm.s32 $0x2200;
	s23 =	simm.s32 $0xB;
	[sflag:s18] =	ssyncadd.s32 $0xFFFFFF80  }
0x26: {  	[tilespmem:s21], [sflag:$0x2] =	stream.indirect.gather [hbm4b:s5+s19], $0x40, s19, s19, $0xb8;
	[tilespmem:$0x13C00] =	vst v63  }
0x27: {  	_ =	swait.ge [sflag:s23], $0x80  }
0x28: {  	[sflag:s23] =	ssyncset.done $0x0  }
0x29: {  	s25 =	simm.s32 $0x4200;
	[sflag:s23] =	ssyncadd.s32 $0xFFFFFF80  }
0x2a: {  	[tilespmem:s25], [sflag:$0x3] =	stream.indirect.gather [hbm4b:s5+s19], $0x40, s10, s19, $0xb8;
	[tilespmem:$0x13C00] =	vst v63  }
0x2b: {  	s7 =	simm.s32 $0x0;
	s31 =	rddreg [dreg:$0x8]  }
0x2c: {  	[tilespmem:s28], [sflag:$0xC] =	stream.linear.gather [hbm4b:s31+s4], $0x80, $0x38;
	[tilespmem:$0x13C00] =	vst v63  }
.LBB2_2:
0x2d: {  	_ =	swait.ge [sflag:s29], $0x2000  }
0x2e: {  	[sflag:s29] =	ssyncset.done $0x0  }
0x2f: {  	[sflag:s29] =	ssyncadd.s32 $0xFFFFE000  }
0x30: {  	_ =	swait.ge [sflag:s30], $0x80  }
0x31: {  	s9 =	simm.s32 $0x6200;
	[sflag:s30] =	ssyncset.done $0x0  }
0x32: {  	s18 =	sshll.u32 s7, $0x2;
	p0 =	seq.s32 s7, $0x31;
	[sflag:s30] =	ssyncadd.s32 $0xFFFFFF80  }
0x33: {  	[tilespmem:s9], [sflag:$0x4] =	stream.indirect.gather [hbm4b:s5+s19], $0x40, s28, s19, $0xb8;
	[tilespmem:$0x13C00] =	vst v63  }
0x34: {  	p1 =	seq.s32 @!p0 s7, $0x0;
	s9 =	sadd.s32 @!p0 s18, s12  }
0x35: {  	p1 =	por p0, !p1;
	s10 =	sshll.u32 @!p0 s9, $0x7;
	s11 =	sshll.u32 @!p0 s9, $0xA  }
0x36: {  	s9 =	sshll.u32 @!p0 s9, $0x2;
	s10 =	sand.u32 @!p0 $0x7FFF8000, s10;
	s11 =	sand.u32 @!p0 $0x7000, s11  }
.Ltmp0:
0x37: {  	s9 =	sand.u32 @!p0 $0x380, s9;
	s10 =	sor.u32 @!p0 s11, s10;
	(pc) =	sbr.rel @!p1 .LBB2_3-.Ltmp0, $4  }
0x38: {  	s9 =	sor.u32 @!p0 s9, s10  }
0x39: {  	s9 =	sshrl.u32 @!p0 s9, $0x3  }
0x3a: {  	s10 =	simm.s32 @!p0 $0x0;
	s9 =	sadd.s32 @!p0 s1, s9  }
0x3b: {  	[tilespmem:s10], [sflag:$0x9] =	stream.linear.gather @!p0 [hbm4b:s9+s10], $0x80, $0x38;
	[tilespmem:$0x13C00] =	vst v63  }
.Ltmp1:
0x3c: {  	(pc) =	sbr.rel .LBB2_5-.Ltmp1, $4  }
0x3d: {  	_ = 	snop  }
0x3e: {  	_ =	swait.ge [sflag:s8], $0x2000  }
0x3f: {  	[sflag:s8] =	ssyncset.done $0x0  }
0x40: {  	p1 =	por $0x0, $0x0;
	[sflag:s8] =	ssyncadd.s32 $0xFFFFE000  }
.LBB2_3:
0x41: {  	p1 =	por @!p0 $0x1, $0x1  }
.LBB2_5:
0x42: {  	s23 =	sadd.s32 s6, s18  }
0x43: {  	s21 =	sshrl.u32 s23, $0x5  }
0x44: {  	s11 =	simm.s32 $0x280;
	s9 =	sshll.u32 s21, $0x6  }
0x45: {  	s10 =	simm.s32 $0x3;
	v7 =	vld [tilespmem:s11+$0x40];
	s9 =	sand.u32 $0x3FFFFFC0, s9  }
0x46: {  	v4 =	vmov s10;
	v9 =	vld [tilespmem:s9+$0x10A00]  }
0x47: {  	v13 =	vand.u32 $0x7F, v4  }
0x48: {  	s25 =	simm.s32 $0x0;
	v10 =	vld [tilespmem:s11+$0xFFFFFF80];
	v8 =	vadd.s32 v0, v13  }
0x49: {  	s31 =	simm.s32 $0x1;
	s16 =	simm.s32 $0x2;
	v11 =	vld [tilespmem:s11+$0xFFFFFFC0];
	v4 =	vmov s25  }
0x4a: {  	v14 =	vmov s16;
	v16 =	vld [tilespmem:s11+$0x0];
	v12 =	vand.u32 $0x7C, v4;
	v4 =	vmov s31  }
0x4b: {  	v6 =	vld [tilespmem:s9+$0x10A10];
	v15 =	vadd.s32 v0, v12;
	v19 =	vand.u32 $0x7D, v4;
	v7 =	vadd.f32 v7, v9  }
0x4c: {  	v20 =	vand.u32 $0x7E, v14;
	v5 =	vld [tilespmem:s9+$0x10A20];
	v17 =	vadd.s32 v0, v19  }
0x4d: {  	v14 =	vadd.s32 v0, v20;
	v4 =	vld [tilespmem:s9+$0x10A30];
	[tilespmem:v8+s2+$0x0] =	vst.idx.msk $0xffff, v7  }
0x4e: {  	v7 =	vadd.f32 v10, v9;
	v8 =	vld [tilespmem:s11+$0x50]  }
0x4f: {  	v10 =	vadd.f32 v11, v9  }
0x50: {  	v11 =	vadd.s32 v1, v13;
	[tilespmem:v15+s2+$0x0] =	vst.idx.msk $0xffff, v7;
	v7 =	vadd.f32 v16, v9  }
0x51: {  	[tilespmem:v17+s2+$0x0] =	vst.idx.msk $0xffff, v10;
	v15 =	vld [tilespmem:s11+$0xFFFFFF90]  }
0x52: {  	v10 =	vld [tilespmem:s11+$0xFFFFFFD0];
	[tilespmem:v14+s2+$0x0] =	vst.idx.msk $0xffff, v7  }
0x53: {  	v14 =	vld [tilespmem:s11+$0x10];
	v7 =	vadd.f32 v8, v6  }
0x54: {  	s25 =	simm.s32 $0x380;
	s31 =	simm.s32 $0x7;
	v16 =	vadd.s32 v1, v19  }
0x55: {  	s16 =	simm.s32 $0x4;
	v18 =	vld [tilespmem:s25+$0x40];
	v26 =	vadd.s32 v2, v13;
	v17 =	vadd.s32 v1, v20;
	[tilespmem:v11+s2+$0x0] =	vst.idx.msk $0xffff, v7;
	v7 =	vmov s31  }
0x56: {  	v21 =	vadd.s32 v1, v12;
	v8 =	vmov s16;
	v7 =	vand.u32 $0x7F, v7;
	v22 =	vld [tilespmem:s11+$0x60]  }
0x57: {  	s10 =	simm.s32 $0x5;
	v23 =	vld [tilespmem:s25+$0xFFFFFF80];
	v8 =	vand.u32 $0x7C, v8;
	v10 =	vadd.f32 v10, v6;
	v24 =	vadd.s32 v0, v7  }
0x58: {  	v25 =	vld [tilespmem:s25+$0xFFFFFFC0];
	s16 =	simm.s32 $0x6;
	v15 =	vadd.f32 v15, v6;
	v11 =	vadd.f32 v14, v6;
	v14 =	vmov s10  }
0x59: {  	v27 =	vadd.s32 v0, v8;
	[tilespmem:v16+s2+$0x0] =	vst.idx.msk $0xffff, v10;
	v16 =	vmov s16;
	v10 =	vand.u32 $0x7D, v14;
	v14 =	vld [tilespmem:s25+$0x0]  }
0x5a: {  	[tilespmem:v17+s2+$0x0] =	vst.idx.msk $0xffff, v11;
	v17 =	vadd.s32 v0, v10;
	v11 =	vand.u32 $0x7E, v16;
	v16 =	vadd.f32 v18, v9;
	v18 =	vld [tilespmem:s11+$0xFFFFFFE0]  }
0x5b: {  	[tilespmem:v21+s2+$0x0] =	vst.idx.msk $0xffff, v15;
	v15 =	vadd.s32 v0, v11;
	v21 =	vld [tilespmem:s11+$0x20];
	v22 =	vadd.f32 v22, v5  }
0x5c: {  	v23 =	vadd.f32 v23, v9;
	[tilespmem:v24+s2+$0x0] =	vst.idx.msk $0xffff, v16;
	v16 =	vld [tilespmem:s11+$0xFFFFFFA0];
	v24 =	vadd.s32 v2, v19  }
0x5d: {  	v29 =	vadd.s32 v2, v20;
	v25 =	vadd.f32 v25, v9;
	v28 =	vld [tilespmem:s25+$0x50];
	[tilespmem:v26+s2+$0x0] =	vst.idx.msk $0xffff, v22  }
0x5e: {  	[tilespmem:v27+s2+$0x0] =	vst.idx.msk $0xffff, v23;
	v23 =	vadd.s32 v2, v12;
	v14 =	vadd.f32 v14, v9;
	v26 =	vld [tilespmem:s11+$0x70]  }
0x5f: {  	v27 =	vld [tilespmem:s25+$0xFFFFFF90];
	[tilespmem:v17+s2+$0x0] =	vst.idx.msk $0xffff, v25;
	v25 =	vadd.s32 v1, v7;
	v18 =	vadd.f32 v18, v5  }
0x60: {  	v31 =	vadd.s32 v3, v13;
	v30 =	vld [tilespmem:s25+$0xFFFFFFD0];
	[tilespmem:v15+s2+$0x0] =	vst.idx.msk $0xffff, v14;
	v14 =	vadd.f32 v21, v5  }
0x61: {  	v22 =	vadd.s32 v1, v8;
	v17 =	vld [tilespmem:s25+$0x10];
	v13 =	vadd.f32 v16, v5;
	[tilespmem:v24+s2+$0x0] =	vst.idx.msk $0xffff, v18  }
0x62: {  	s10 =	simm.s32 $0x8;
	v21 =	vadd.s32 v1, v10;
	[tilespmem:v29+s2+$0x0] =	vst.idx.msk $0xffff, v14;
	v18 =	vadd.f32 v28, v6;
	v16 =	vld [tilespmem:s11+$0xFFFFFFF0]  }
0x63: {  	v24 =	vmov s10;
	v14 =	vadd.s32 v1, v11;
	v15 =	vld [tilespmem:s11+$0x30];
	[tilespmem:v23+s2+$0x0] =	vst.idx.msk $0xffff, v13;
	v63 =	vadd.f32 v26, v4  }
0x64: {  	s9 =	simm.s32 $0x480;
	s31 =	simm.s32 $0xB;
	v19 =	vadd.s32 v3, v19;
	v13 =	vand.u32 $0x7C, v24;
	v24 =	vadd.f32 v27, v6;
	[tilespmem:v25+s2+$0x0] =	vst.idx.msk $0xffff, v18;
	v18 =	vld [tilespmem:s11+$0xFFFFFFB0]  }
0x65: {  	v20 =	vadd.s32 v3, v20;
	v26 =	vmov s31;
	v23 =	vld [tilespmem:s9+$0x40];
	s11 =	simm.s32 $0xC;
	v25 =	vadd.f32 v30, v6;
	[tilespmem:v31+s2+$0x0] =	vst.idx.msk $0xffff, v63  }
.LBB2_6:
0x66: {  	p2 =	slt.u32 s11, $0x7C;
	s16 =	sadd.s32 $0x1, s10;
	v26 =	vand.u32 $0x7F, v26;
	[tilespmem:v22+s2+$0x0] =	vst.idx.msk $0xffff, v24;
	v17 =	vadd.f32 v17, v6;
	v22 =	vld [tilespmem:s25+$0x60];
	v24 =	vadd.s32 v3, v12  }
0x67: {  	v30 =	vmovc v11;
	v27 =	vld [tilespmem:s9+$0xFFFFFF80];
	v28 =	vmov s16;
	s16 =	sadd.s32 $0x2, s10;
	v29 =	vadd.s32 v0, v26;
	[tilespmem:v21+s2+$0x0] =	vst.idx.msk $0xffff, v25;
	v16 =	vadd.f32 v16, v4;
	s10 =	smov.u32 s11  }
0x68: {  	v12 =	vmovc v8;
	v21 =	vld [tilespmem:s9+$0xFFFFFFC0];
	v11 =	vmov s16;
	[tilespmem:v14+s2+$0x0] =	vst.idx.msk $0xffff, v17;
	v14 =	vadd.s32 v2, v7;
	v15 =	vadd.f32 v15, v4  }
0x69: {  	v17 =	vadd.s32 v0, v13;
	v28 =	vand.u32 $0x7D, v28;
	v25 =	vld [tilespmem:s9+$0x0];
	v31 =	vadd.f32 v18, v4;
	[tilespmem:v19+s2+$0x0] =	vst.idx.msk $0xffff, v16  }
0x6a: {  	v16 =	vadd.s32 v0, v28;
	v11 =	vand.u32 $0x7E, v11;
	v18 =	vadd.f32 v23, v9;
	v19 =	vld [tilespmem:s25+$0xFFFFFFE0];
	[tilespmem:v20+s2+$0x0] =	vst.idx.msk $0xffff, v15  }
0x6b: {  	v8 =	vmov v13;
	v15 =	vadd.s32 v0, v11;
	v20 =	vld [tilespmem:s25+$0x20];
	v22 =	vadd.f32 v22, v5;
	[tilespmem:v24+s2+$0x0] =	vst.idx.msk $0xffff, v31  }
0x6c: {  	v23 =	vadd.s32 v2, v10;
	v13 =	vadd.f32 v27, v9;
	[tilespmem:v29+s2+$0x0] =	vst.idx.msk $0xffff, v18;
	v18 =	vld [tilespmem:s25+$0xFFFFFFA0]  }
0x6d: {  	v27 =	vadd.s32 v2, v30;
	v21 =	vadd.f32 v21, v9;
	v24 =	vld [tilespmem:s9+$0x50];
	[tilespmem:v14+s2+$0x0] =	vst.idx.msk $0xffff, v22  }
0x6e: {  	[tilespmem:v17+s2+$0x0] =	vst.idx.msk $0xffff, v13;
	v13 =	vadd.f32 v25, v9;
	v25 =	vadd.s32 v2, v12;
	v29 =	vld [tilespmem:s25+$0x70]  }
0x6f: {  	v32 =	vadd.s32 v1, v26;
	v31 =	vld [tilespmem:s9+$0xFFFFFF90];
	[tilespmem:v16+s2+$0x0] =	vst.idx.msk $0xffff, v21;
	v14 =	vadd.f32 v19, v5  }
0x70: {  	v34 =	vadd.s32 v3, v7;
	v7 =	vmov v26;
	v33 =	vld [tilespmem:s9+$0xFFFFFFD0];
	[tilespmem:v15+s2+$0x0] =	vst.idx.msk $0xffff, v13;
	v13 =	vadd.f32 v20, v5  }
.Ltmp2:
0x71: {  	v22 =	vadd.s32 v1, v8;
	v17 =	vld [tilespmem:s9+$0x10];
	v15 =	vadd.f32 v18, v5;
	[tilespmem:v23+s2+$0x0] =	vst.idx.msk $0xffff, v14;
	(pc) =	sbr.rel @p2 .LBB2_6-.Ltmp2, $4  }
0x72: {  	v21 =	vadd.s32 v1, v28;
	v18 =	vadd.f32 v24, v6;
	v16 =	vld [tilespmem:s25+$0xFFFFFFF0];
	[tilespmem:v27+s2+$0x0] =	vst.idx.msk $0xffff, v13  }
0x73: {  	v14 =	vadd.s32 v1, v11;
	v13 =	vmov s11;
	[tilespmem:v25+s2+$0x0] =	vst.idx.msk $0xffff, v15;
	v15 =	vld [tilespmem:s25+$0x30];
	v27 =	vadd.f32 v29, v4  }
0x74: {  	s16 =	sadd.s32 $0x3, s11;
	v19 =	vadd.s32 v3, v10;
	v13 =	vand.u32 $0x7C, v13;
	v24 =	vadd.f32 v31, v6;
	[tilespmem:v32+s2+$0x0] =	vst.idx.msk $0xffff, v18;
	v18 =	vld [tilespmem:s25+$0xFFFFFFB0];
	s25 =	smov.u32 s9;
	s9 =	sadd.s32 $0x100, s9  }
0x75: {  	v26 =	vmov s16;
	v10 =	vmovc v28;
	v20 =	vadd.s32 v3, v30;
	s11 =	sadd.s32 $0x4, s11;
	v23 =	vld [tilespmem:s9+$0x40];
	v25 =	vadd.f32 v33, v6;
	[tilespmem:v34+s2+$0x0] =	vst.idx.msk $0xffff, v27  }
0x76: {  	s11 =	sadd.s32 $0x1, s10  }
0x77: {  	v26 =	vand.u32 $0x7F, v26;
	s16 =	sadd.s32 $0x2, s10;
	v28 =	vld [tilespmem:s9+$0xFFFFFFC0];
	v27 =	vmov s11  }
0x78: {  	v31 =	vld [tilespmem:s9+$0x0];
	v29 =	vadd.s32 v0, v26;
	v30 =	vmov s16;
	v27 =	vand.u32 $0x7D, v27  }
0x79: {  	v32 =	vld [tilespmem:s9+$0xFFFFFF80];
	v30 =	vand.u32 $0x7E, v30;
	v33 =	vadd.s32 v0, v27  }
0x7a: {  	v34 =	vadd.s32 v0, v30  }
0x7b: {  	[tilespmem:v22+s2+$0x0] =	vst.idx.msk $0xffff, v24;
	v44 =	vadd.s32 v0, v13;
	v23 =	vadd.f32 v23, v9  }
0x7c: {  	[tilespmem:v21+s2+$0x0] =	vst.idx.msk $0xffff, v25;
	v45 =	vadd.f32 v28, v9  }
0x7d: {  	v46 =	vadd.f32 v31, v9;
	[tilespmem:v29+s2+$0x0] =	vst.idx.msk $0xffff, v23  }
0x7e: {  	v47 =	vadd.f32 v32, v9;
	v48 =	vld [tilespmem:s9+$0x50];
	[tilespmem:v33+s2+$0x0] =	vst.idx.msk $0xffff, v45  }
0x7f: {  	v17 =	vadd.f32 v17, v6;
	v12 =	vadd.s32 v3, v12;
	[tilespmem:v34+s2+$0x0] =	vst.idx.msk $0xffff, v46;
	v21 =	vld [tilespmem:s9+$0xFFFFFFD0]  }
0x80: {  	v16 =	vadd.f32 v16, v4;
	v49 =	vadd.s32 v1, v26;
	[tilespmem:v44+s2+$0x0] =	vst.idx.msk $0xffff, v47;
	v50 =	vld [tilespmem:s9+$0x10]  }
0x81: {  	[tilespmem:v14+s2+$0x0] =	vst.idx.msk $0xffff, v17;
	v51 =	vadd.f32 v15, v4;
	v53 =	vadd.s32 v1, v27;
	v52 =	vld [tilespmem:s9+$0xFFFFFF90]  }
0x82: {  	v54 =	vld [tilespmem:s25+$0x60];
	v18 =	vadd.f32 v18, v4;
	[tilespmem:v19+s2+$0x0] =	vst.idx.msk $0xffff, v16;
	v55 =	vadd.s32 v1, v30  }
0x83: {  	v57 =	vadd.s32 v1, v13;
	v60 =	vld [tilespmem:s25+$0x20];
	[tilespmem:v20+s2+$0x0] =	vst.idx.msk $0xffff, v51;
	v58 =	vadd.f32 v48, v6  }
0x84: {  	v59 =	vadd.s32 v2, v7;
	v56 =	vld [tilespmem:s25+$0xFFFFFFE0];
	[tilespmem:v12+s2+$0x0] =	vst.idx.msk $0xffff, v18;
	v61 =	vadd.f32 v21, v6  }
0x85: {  	v62 =	vld [tilespmem:s25+$0xFFFFFFA0];
	v29 =	vadd.s32 v2, v11;
	[tilespmem:v49+s2+$0x0] =	vst.idx.msk $0xffff, v58;
	v28 =	vadd.f32 v50, v6  }
0x86: {  	v63 =	vadd.s32 v2, v10;
	v31 =	vadd.f32 v52, v6;
	v32 =	vld [tilespmem:s9+$0x60];
	[tilespmem:v53+s2+$0x0] =	vst.idx.msk $0xffff, v61  }
0x87: {  	v33 =	vadd.f32 v54, v5;
	v34 =	vadd.s32 v2, v8;
	[tilespmem:v55+s2+$0x0] =	vst.idx.msk $0xffff, v28;
	v35 =	vld [tilespmem:s9+$0xFFFFFFE0]  }
0x88: {  	v37 =	vadd.s32 v2, v26;
	v39 =	vadd.f32 v60, v5;
	[tilespmem:v57+s2+$0x0] =	vst.idx.msk $0xffff, v31;
	v38 =	vld [tilespmem:s9+$0x20]  }
0x89: {  	v41 =	vadd.s32 v2, v27;
	v36 =	vadd.f32 v56, v5;
	[tilespmem:v59+s2+$0x0] =	vst.idx.msk $0xffff, v33;
	v40 =	vld [tilespmem:s9+$0xFFFFFFA0]  }
0x8a: {  	v43 =	vadd.s32 v2, v30;
	v18 =	vadd.f32 v62, v5;
	v42 =	vld [tilespmem:s25+$0x70];
	[tilespmem:v29+s2+$0x0] =	vst.idx.msk $0xffff, v39  }
0x8b: {  	v45 =	vadd.s32 v2, v13;
	[tilespmem:v63+s2+$0x0] =	vst.idx.msk $0xffff, v36;
	v47 =	vld [tilespmem:s25+$0x30];
	v44 =	vadd.f32 v32, v5  }
0x8c: {  	v46 =	vadd.s32 v3, v7;
	[tilespmem:v34+s2+$0x0] =	vst.idx.msk $0xffff, v18;
	v21 =	vld [tilespmem:s25+$0xFFFFFFF0];
	v9 =	vadd.f32 v35, v5  }
0x8d: {  	v18 =	vld [tilespmem:s25+$0xFFFFFFB0];
	v50 =	vadd.s32 v3, v11;
	[tilespmem:v37+s2+$0x0] =	vst.idx.msk $0xffff, v44;
	v49 =	vadd.f32 v38, v5  }
0x8e: {  	v48 =	vadd.s32 v3, v10;
	v5 =	vadd.f32 v40, v5;
	v12 =	vld [tilespmem:s9+$0x70];
	[tilespmem:v41+s2+$0x0] =	vst.idx.msk $0xffff, v9  }
0x8f: {  	v52 =	vadd.s32 v3, v8;
	v51 =	vadd.f32 v42, v4;
	[tilespmem:v43+s2+$0x0] =	vst.idx.msk $0xffff, v49;
	v53 =	vld [tilespmem:s9+$0xFFFFFFF0]  }
0x90: {  	v55 =	vadd.s32 v3, v26;
	v56 =	vadd.f32 v47, v4;
	[tilespmem:v45+s2+$0x0] =	vst.idx.msk $0xffff, v5;
	v5 =	vld [tilespmem:s9+$0x30]  }
0x91: {  	v58 =	vadd.s32 v3, v27;
	[tilespmem:v46+s2+$0x0] =	vst.idx.msk $0xffff, v51;
	v54 =	vadd.f32 v21, v4;
	v57 =	vld [tilespmem:s9+$0xFFFFFFB0]  }
0x92: {  	v60 =	vadd.s32 v3, v30;
	v59 =	vadd.f32 v18, v4;
	[tilespmem:v50+s2+$0x0] =	vst.idx.msk $0xffff, v56  }
0x93: {  	v62 =	vadd.s32 v3, v13;
	[tilespmem:v48+s2+$0x0] =	vst.idx.msk $0xffff, v54;
	v61 =	vadd.f32 v12, v4  }
0x94: {  	[tilespmem:v52+s2+$0x0] =	vst.idx.msk $0xffff, v59;
	v63 =	vadd.f32 v53, v4  }
0x95: {  	s23 =	sshll.u32 s23, $0x7;
	[tilespmem:v55+s2+$0x0] =	vst.idx.msk $0xffff, v61;
	v5 =	vadd.f32 v5, v4  }
0x96: {  	s9 =	sand.u32 $0xE00, s23;
	v4 =	vadd.f32 v57, v4;
	[tilespmem:v58+s2+$0x0] =	vst.idx.msk $0xffff, v63  }
0x97: {  	s25 =	sshll.u32 s21, $0xF;
	s9 =	sadd.s32 s3, s9;
	[tilespmem:v60+s2+$0x0] =	vst.idx.msk $0xffff, v5  }
0x98: {  	s31 =	simm.s32 $0x8200;
	s10 =	sadd.s32 s25, s9;
	[tilespmem:v62+s2+$0x0] =	vst.idx.msk $0xffff, v4  }
0x99: {  	[hbm4b:s10+s4] =	stream.linear.scatter [tilespmem:s31], [sflag:$0x5], $0x80, $0x38;
	[tilespmem:$0x13C00] =	vst v63  }
0x9a: {  	s11 =	simm.s32 $0x8288;
	s16 =	sadd.s32 $0x10, s10  }
0x9b: {  	[hbm4b:s16+s4] =	stream.linear.scatter [tilespmem:s11], [sflag:$0x5], $0x80, $0x38;
	[tilespmem:$0x13C00] =	vst v63  }
0x9c: {  	s21 =	simm.s32 $0x8310;
	s25 =	simm.s32 $0x8398;
	s23 =	sadd.s32 $0x20, s10  }
0x9d: {  	[hbm4b:s23+s4] =	stream.linear.scatter [tilespmem:s21], [sflag:$0x5], $0x80, $0x38;
	[tilespmem:$0x13C00] =	vst v63  }
0x9e: {  	s9 =	simm.s32 $0x440;
	s31 =	sadd.s32 $0x30, s10;
	s11 =	simm.s32 $0x8420  }
0x9f: {  	[hbm4b:s31+s4] =	stream.linear.scatter [tilespmem:s25], [sflag:$0x5], $0x80, $0x38;
	[tilespmem:$0x13C00] =	vst v63  }
0xa0: {  	s16 =	sadd.s32 $0x40, s10;
	s21 =	simm.s32 $0x84A8;
	s23 =	sadd.s32 $0x50, s10  }
0xa1: {  	[hbm4b:s16+s4] =	stream.linear.scatter [tilespmem:s11], [sflag:$0x5], $0x80, $0x38;
	[tilespmem:$0x13C00] =	vst v63  }
0xa2: {  	s25 =	simm.s32 $0x8530;
	s31 =	sadd.s32 $0x60, s10;
	s11 =	simm.s32 $0x2200  }
0xa3: {  	[hbm4b:s23+s4] =	stream.linear.scatter [tilespmem:s21], [sflag:$0x5], $0x80, $0x38;
	[tilespmem:$0x13C00] =	vst v63  }
0xa4: {  	s16 =	simm.s32 $0x85B8;
	s21 =	sadd.s32 $0x70, s10;
	s10 =	sadd.s32 $0x1000, s10  }
0xa5: {  	[hbm4b:s31+s4] =	stream.linear.scatter [tilespmem:s25], [sflag:$0x5], $0x80, $0x38;
	[tilespmem:$0x13C00] =	vst v63  }
.LBB2_8:
0xa6: {  	[hbm4b:s21+s4] =	stream.linear.scatter [tilespmem:s16], [sflag:$0x5], $0x80, $0x38;
	[tilespmem:$0x13C00] =	vst v63  }
0xa7: {  	s16 =	smov.u32 s9;
	s9 =	smov.u32 s11  }
0xa8: {  	s23 =	sadd.s32 $0x1100, s11;
	s9 =	sshra.s32 s9, $0x2;
	s21 =	sadd.s32 $0x8200, s16  }
0xa9: {  	[hbm4b:s10+s4] =	stream.linear.scatter [tilespmem:s21], [sflag:$0x5], $0x80, $0x38;
	[tilespmem:$0x13C00] =	vst v63  }
0xaa: {  	p2 =	sne.s32 s11, $0x7700;
	s11 =	sadd.s32 $0x8288, s16;
	s21 =	sadd.s32 $0x10, s10  }
0xab: {  	[hbm4b:s21+s4] =	stream.linear.scatter [tilespmem:s11], [sflag:$0x5], $0x80, $0x38;
	[tilespmem:$0x13C00] =	vst v63  }
0xac: {  	s11 =	sadd.s32 $0x8310, s16;
	s21 =	sadd.s32 $0x20, s10  }
0xad: {  	[hbm4b:s21+s4] =	stream.linear.scatter [tilespmem:s11], [sflag:$0x5], $0x80, $0x38;
	[tilespmem:$0x13C00] =	vst v63  }
0xae: {  	s11 =	sadd.s32 $0x8398, s16;
	s21 =	sadd.s32 $0x30, s10  }
0xaf: {  	[hbm4b:s21+s4] =	stream.linear.scatter [tilespmem:s11], [sflag:$0x5], $0x80, $0x38;
	[tilespmem:$0x13C00] =	vst v63  }
0xb0: {  	s11 =	sadd.s32 $0x8420, s16;
	s21 =	sadd.s32 $0x40, s10  }
0xb1: {  	[hbm4b:s21+s4] =	stream.linear.scatter [tilespmem:s11], [sflag:$0x5], $0x80, $0x38;
	[tilespmem:$0x13C00] =	vst v63  }
.Ltmp3:
0xb2: {  	s11 =	sadd.s32 $0x84A8, s16;
	s21 =	sadd.s32 $0x50, s10;
	(pc) =	sbr.rel @p2 .LBB2_8-.Ltmp3, $4  }
0xb3: {  	[hbm4b:s21+s4] =	stream.linear.scatter [tilespmem:s11], [sflag:$0x5], $0x80, $0x38;
	[tilespmem:$0x13C00] =	vst v63  }
0xb4: {  	s11 =	sadd.s32 $0x8530, s16;
	s21 =	sadd.s32 $0x60, s10;
	s16 =	sadd.s32 $0x85B8, s16  }
0xb5: {  	[hbm4b:s21+s4] =	stream.linear.scatter [tilespmem:s11], [sflag:$0x5], $0x80, $0x38;
	[tilespmem:$0x13C00] =	vst v63  }
0xb6: {  	s21 =	sadd.s32 $0x70, s10;
	s10 =	sadd.s32 $0x1000, s10;
	s11 =	smov.u32 s23  }
0xb7: {  	[hbm4b:s21+s4] =	stream.linear.scatter [tilespmem:s16], [sflag:$0x5], $0x80, $0x38;
	[tilespmem:$0x13C00] =	vst v63  }
0xb8: {  	s11 =	sadd.s32 $0x8200, s9  }
0xb9: {  	[hbm4b:s10+s4] =	stream.linear.scatter [tilespmem:s11], [sflag:$0x5], $0x80, $0x38;
	[tilespmem:$0x13C00] =	vst v63  }
0xba: {  	s25 =	sadd.s32 $0x8288, s9;
	s31 =	sadd.s32 $0x10, s10  }
0xbb: {  	[hbm4b:s31+s4] =	stream.linear.scatter [tilespmem:s25], [sflag:$0x5], $0x80, $0x38;
	[tilespmem:$0x13C00] =	vst v63  }
0xbc: {  	s21 =	sadd.s32 $0x8310, s9;
	s23 =	sadd.s32 $0x20, s10  }
0xbd: {  	[hbm4b:s23+s4] =	stream.linear.scatter [tilespmem:s21], [sflag:$0x5], $0x80, $0x38;
	[tilespmem:$0x13C00] =	vst v63  }
0xbe: {  	s25 =	sadd.s32 $0x8398, s9;
	s31 =	sadd.s32 $0x30, s10  }
0xbf: {  	[hbm4b:s31+s4] =	stream.linear.scatter [tilespmem:s25], [sflag:$0x5], $0x80, $0x38;
	[tilespmem:$0x13C00] =	vst v63  }
0xc0: {  	s21 =	sadd.s32 $0x8420, s9;
	s23 =	sadd.s32 $0x40, s10  }
0xc1: {  	[hbm4b:s23+s4] =	stream.linear.scatter [tilespmem:s21], [sflag:$0x5], $0x80, $0x38;
	[tilespmem:$0x13C00] =	vst v63  }
0xc2: {  	s25 =	sadd.s32 $0x84A8, s9;
	s31 =	sadd.s32 $0x50, s10  }
0xc3: {  	[hbm4b:s31+s4] =	stream.linear.scatter [tilespmem:s25], [sflag:$0x5], $0x80, $0x38;
	[tilespmem:$0x13C00] =	vst v63  }
0xc4: {  	s16 =	sadd.s32 $0x8530, s9;
	s21 =	sadd.s32 $0x60, s10  }
0xc5: {  	[hbm4b:s21+s4] =	stream.linear.scatter [tilespmem:s16], [sflag:$0x5], $0x80, $0x38;
	[tilespmem:$0x13C00] =	vst v63  }
0xc6: {  	s23 =	sadd.s32 $0x85B8, s9;
	s25 =	sadd.s32 $0x70, s10  }
0xc7: {  	[hbm4b:s25+s4] =	stream.linear.scatter [tilespmem:s23], [sflag:$0x5], $0x80, $0x38;
	[tilespmem:$0x13C00] =	vst v63  }
0xc8: {  	_ =	swait.ge [sflag:s0], $0x2000  }
0xc9: {  	[sflag:s0] =	ssyncset.done $0x0  }
0xca: {  	s9 =	simm.s32 @!p0 $0x9;
	[sflag:s0] =	ssyncadd.s32 $0xFFFFE000  }
0xcb: {  	_ =	swait.ge @!p0 [sflag:s9], $0x80  }
0xcc: {  	s11 =	simm.s32 @!p0 $0x200;
	[sflag:s9] =	ssyncset.done @!p0 $0x0  }
0xcd: {  	s10 =	simm.s32 @!p0 $0x0;
	[sflag:s9] =	ssyncadd.s32 @!p0 $0xFFFFFF80;
	s9 =	simm.s32 @!p0 $0x80  }
0xce: {  	[tilespmem:s11], [sflag:$0x1] =	stream.indirect.gather @!p0 [hbm4b:s5+s9], $0x40, s10, s9, $0xb8;
	[tilespmem:$0x13C00] =	vst v63  }
0xcf: {  	s11 =	sadd.s32 @!p0 s18, s13  }
0xd0: {  	s16 =	sshll.u32 @!p0 s11, $0x7;
	s21 =	sshll.u32 @!p0 s11, $0xA  }
0xd1: {  	s11 =	sshll.u32 @!p0 s11, $0x2;
	s16 =	sand.u32 @!p0 $0x7FFF8000, s16;
	s21 =	sand.u32 @!p0 $0x7400, s21  }
0xd2: {  	s11 =	sand.u32 @!p0 $0x380, s11;
	s16 =	sor.u32 @!p0 s21, s16  }
0xd3: {  	s11 =	sor.u32 @!p0 s11, s16  }
0xd4: {  	s11 =	sshrl.u32 @!p0 s11, $0x3  }
0xd5: {  	s21 =	sadd.s32 s18, s6;
	s11 =	sadd.s32 @!p0 s1, s11  }
0xd6: {  	[tilespmem:s9], [sflag:$0xA] =	stream.linear.gather @!p0 [hbm4b:s11+s10], $0x80, $0x38;
	[tilespmem:$0x13C00] =	vst v63  }
0xd7: {  	s25 =	sadd.s32 $0x1, s21;
	s9 =	simm.s32 @!p1 $0x6  }
0xd8: {  	s23 =	sshrl.u32 s25, $0x5;
	_ =	swait.ge @!p1 [sflag:s9], $0x2000  }
0xd9: {  	s31 =	sshll.u32 s23, $0x6;
	[sflag:s9] =	ssyncset.done @!p1 $0x0  }
0xda: {  	[sflag:s9] =	ssyncadd.s32 @!p1 $0xFFFFE000;
	s9 =	sand.u32 $0x3FFFFFC0, s31  }
0xdb: {  	s16 =	simm.s32 $0x2280;
	s11 =	simm.s32 $0x3;
	v9 =	vld [tilespmem:s9+$0x10A00]  }
0xdc: {  	v4 =	vmov s11;
	v7 =	vld [tilespmem:s16+$0x40]  }
0xdd: {  	v13 =	vand.u32 $0x7F, v4  }
0xde: {  	s31 =	simm.s32 $0x0;
	v8 =	vadd.s32 v0, v13;
	v6 =	vld [tilespmem:s9+$0x10A10]  }
0xdf: {  	s11 =	simm.s32 $0x1;
	v4 =	vmov s31;
	v10 =	vld [tilespmem:s16+$0xFFFFFF80];
	s31 =	simm.s32 $0x2  }
0xe0: {  	v11 =	vld [tilespmem:s16+$0xFFFFFFC0];
	v12 =	vand.u32 $0x7C, v4;
	v4 =	vmov s11;
	v14 =	vmov s31  }
0xe1: {  	v16 =	vld [tilespmem:s16+$0x0];
	v15 =	vadd.s32 v0, v12;
	v19 =	vand.u32 $0x7D, v4;
	v7 =	vadd.f32 v7, v9  }
0xe2: {  	v5 =	vld [tilespmem:s9+$0x10A20];
	v20 =	vand.u32 $0x7E, v14;
	v17 =	vadd.s32 v0, v19  }
0xe3: {  	v4 =	vld [tilespmem:s9+$0x10A30];
	v14 =	vadd.s32 v0, v20;
	[tilespmem:v8+s17+$0x0] =	vst.idx.msk $0xffff, v7  }
0xe4: {  	v7 =	vadd.f32 v10, v9;
	v8 =	vld [tilespmem:s16+$0x50]  }
0xe5: {  	v10 =	vadd.f32 v11, v9  }
0xe6: {  	v11 =	vadd.s32 v1, v13;
	[tilespmem:v15+s17+$0x0] =	vst.idx.msk $0xffff, v7;
	v7 =	vadd.f32 v16, v9  }
0xe7: {  	[tilespmem:v17+s17+$0x0] =	vst.idx.msk $0xffff, v10;
	v15 =	vld [tilespmem:s16+$0xFFFFFF90]  }
0xe8: {  	v10 =	vld [tilespmem:s16+$0xFFFFFFD0];
	[tilespmem:v14+s17+$0x0] =	vst.idx.msk $0xffff, v7  }
0xe9: {  	v14 =	vld [tilespmem:s16+$0x10];
	v7 =	vadd.f32 v8, v6  }
0xea: {  	s31 =	simm.s32 $0x7;
	s9 =	simm.s32 $0x2380;
	v16 =	vadd.s32 v1, v19  }
0xeb: {  	v26 =	vadd.s32 v2, v13;
	s11 =	simm.s32 $0x4;
	v18 =	vld [tilespmem:s9+$0x40];
	v17 =	vadd.s32 v1, v20;
	[tilespmem:v11+s17+$0x0] =	vst.idx.msk $0xffff, v7;
	v7 =	vmov s31  }
0xec: {  	v21 =	vadd.s32 v1, v12;
	v8 =	vmov s11;
	v7 =	vand.u32 $0x7F, v7;
	v22 =	vld [tilespmem:s16+$0x60]  }
0xed: {  	v23 =	vld [tilespmem:s9+$0xFFFFFF80];
	s11 =	simm.s32 $0x5;
	v8 =	vand.u32 $0x7C, v8;
	v10 =	vadd.f32 v10, v6;
	v24 =	vadd.s32 v0, v7  }
0xee: {  	v25 =	vld [tilespmem:s9+$0xFFFFFFC0];
	v15 =	vadd.f32 v15, v6;
	s31 =	simm.s32 $0x6;
	v11 =	vadd.f32 v14, v6;
	v14 =	vmov s11  }
0xef: {  	v27 =	vadd.s32 v0, v8;
	[tilespmem:v16+s17+$0x0] =	vst.idx.msk $0xffff, v10;
	v16 =	vmov s31;
	v10 =	vand.u32 $0x7D, v14;
	v14 =	vld [tilespmem:s9+$0x0]  }
0xf0: {  	[tilespmem:v17+s17+$0x0] =	vst.idx.msk $0xffff, v11;
	v17 =	vadd.s32 v0, v10;
	v11 =	vand.u32 $0x7E, v16;
	v16 =	vadd.f32 v18, v9;
	v18 =	vld [tilespmem:s16+$0xFFFFFFE0]  }
0xf1: {  	[tilespmem:v21+s17+$0x0] =	vst.idx.msk $0xffff, v15;
	v15 =	vadd.s32 v0, v11;
	v21 =	vld [tilespmem:s16+$0x20];
	v22 =	vadd.f32 v22, v5  }
0xf2: {  	v23 =	vadd.f32 v23, v9;
	[tilespmem:v24+s17+$0x0] =	vst.idx.msk $0xffff, v16;
	v16 =	vld [tilespmem:s16+$0xFFFFFFA0];
	v24 =	vadd.s32 v2, v19  }
0xf3: {  	v29 =	vadd.s32 v2, v20;
	v25 =	vadd.f32 v25, v9;
	v28 =	vld [tilespmem:s9+$0x50];
	[tilespmem:v26+s17+$0x0] =	vst.idx.msk $0xffff, v22  }
0xf4: {  	[tilespmem:v27+s17+$0x0] =	vst.idx.msk $0xffff, v23;
	v23 =	vadd.s32 v2, v12;
	v14 =	vadd.f32 v14, v9;
	v26 =	vld [tilespmem:s16+$0x70]  }
0xf5: {  	v27 =	vld [tilespmem:s9+$0xFFFFFF90];
	[tilespmem:v17+s17+$0x0] =	vst.idx.msk $0xffff, v25;
	v25 =	vadd.s32 v1, v7;
	v18 =	vadd.f32 v18, v5  }
0xf6: {  	v31 =	vadd.s32 v3, v13;
	v30 =	vld [tilespmem:s9+$0xFFFFFFD0];
	[tilespmem:v15+s17+$0x0] =	vst.idx.msk $0xffff, v14;
	v14 =	vadd.f32 v21, v5  }
0xf7: {  	v22 =	vadd.s32 v1, v8;
	v17 =	vld [tilespmem:s9+$0x10];
	v13 =	vadd.f32 v16, v5;
	[tilespmem:v24+s17+$0x0] =	vst.idx.msk $0xffff, v18  }
0xf8: {  	s11 =	simm.s32 $0x8;
	v21 =	vadd.s32 v1, v10;
	[tilespmem:v29+s17+$0x0] =	vst.idx.msk $0xffff, v14;
	v18 =	vadd.f32 v28, v6;
	v16 =	vld [tilespmem:s16+$0xFFFFFFF0]  }
0xf9: {  	v24 =	vmov s11;
	v14 =	vadd.s32 v1, v11;
	v15 =	vld [tilespmem:s16+$0x30];
	[tilespmem:v23+s17+$0x0] =	vst.idx.msk $0xffff, v13;
	v63 =	vadd.f32 v26, v4  }
0xfa: {  	s10 =	simm.s32 $0x2480;
	s31 =	simm.s32 $0xB;
	v19 =	vadd.s32 v3, v19;
	v13 =	vand.u32 $0x7C, v24;
	v24 =	vadd.f32 v27, v6;
	[tilespmem:v25+s17+$0x0] =	vst.idx.msk $0xffff, v18;
	v18 =	vld [tilespmem:s16+$0xFFFFFFB0]  }
0xfb: {  	v20 =	vadd.s32 v3, v20;
	v26 =	vmov s31;
	v23 =	vld [tilespmem:s10+$0x40];
	s16 =	simm.s32 $0xC;
	v25 =	vadd.f32 v30, v6;
	[tilespmem:v31+s17+$0x0] =	vst.idx.msk $0xffff, v63  }
.LBB2_10:
0xfc: {  	p2 =	slt.u32 s16, $0x7C;
	s31 =	sadd.s32 $0x1, s11;
	v26 =	vand.u32 $0x7F, v26;
	[tilespmem:v22+s17+$0x0] =	vst.idx.msk $0xffff, v24;
	v17 =	vadd.f32 v17, v6;
	v22 =	vld [tilespmem:s9+$0x60];
	v24 =	vadd.s32 v3, v12  }
0xfd: {  	v30 =	vmovc v11;
	v27 =	vld [tilespmem:s10+$0xFFFFFF80];
	v28 =	vmov s31;
	s31 =	sadd.s32 $0x2, s11;
	v29 =	vadd.s32 v0, v26;
	[tilespmem:v21+s17+$0x0] =	vst.idx.msk $0xffff, v25;
	v16 =	vadd.f32 v16, v4;
	s11 =	smov.u32 s16  }
0xfe: {  	v12 =	vmovc v8;
	v21 =	vld [tilespmem:s10+$0xFFFFFFC0];
	v11 =	vmov s31;
	[tilespmem:v14+s17+$0x0] =	vst.idx.msk $0xffff, v17;
	v14 =	vadd.s32 v2, v7;
	v15 =	vadd.f32 v15, v4  }
0xff: {  	v17 =	vadd.s32 v0, v13;
	v28 =	vand.u32 $0x7D, v28;
	v25 =	vld [tilespmem:s10+$0x0];
	v31 =	vadd.f32 v18, v4;
	[tilespmem:v19+s17+$0x0] =	vst.idx.msk $0xffff, v16  }
0x100: {  	v16 =	vadd.s32 v0, v28;
	v11 =	vand.u32 $0x7E, v11;
	v18 =	vadd.f32 v23, v9;
	v19 =	vld [tilespmem:s9+$0xFFFFFFE0];
	[tilespmem:v20+s17+$0x0] =	vst.idx.msk $0xffff, v15  }
0x101: {  	v8 =	vmov v13;
	v15 =	vadd.s32 v0, v11;
	v20 =	vld [tilespmem:s9+$0x20];
	v22 =	vadd.f32 v22, v5;
	[tilespmem:v24+s17+$0x0] =	vst.idx.msk $0xffff, v31  }
0x102: {  	v23 =	vadd.s32 v2, v10;
	v13 =	vadd.f32 v27, v9;
	[tilespmem:v29+s17+$0x0] =	vst.idx.msk $0xffff, v18;
	v18 =	vld [tilespmem:s9+$0xFFFFFFA0]  }
0x103: {  	v27 =	vadd.s32 v2, v30;
	v21 =	vadd.f32 v21, v9;
	v24 =	vld [tilespmem:s10+$0x50];
	[tilespmem:v14+s17+$0x0] =	vst.idx.msk $0xffff, v22  }
0x104: {  	[tilespmem:v17+s17+$0x0] =	vst.idx.msk $0xffff, v13;
	v13 =	vadd.f32 v25, v9;
	v25 =	vadd.s32 v2, v12;
	v29 =	vld [tilespmem:s9+$0x70]  }
0x105: {  	v32 =	vadd.s32 v1, v26;
	v31 =	vld [tilespmem:s10+$0xFFFFFF90];
	[tilespmem:v16+s17+$0x0] =	vst.idx.msk $0xffff, v21;
	v14 =	vadd.f32 v19, v5  }
0x106: {  	v34 =	vadd.s32 v3, v7;
	v7 =	vmov v26;
	v33 =	vld [tilespmem:s10+$0xFFFFFFD0];
	[tilespmem:v15+s17+$0x0] =	vst.idx.msk $0xffff, v13;
	v13 =	vadd.f32 v20, v5  }
.Ltmp4:
0x107: {  	v22 =	vadd.s32 v1, v8;
	v17 =	vld [tilespmem:s10+$0x10];
	v15 =	vadd.f32 v18, v5;
	[tilespmem:v23+s17+$0x0] =	vst.idx.msk $0xffff, v14;
	(pc) =	sbr.rel @p2 .LBB2_10-.Ltmp4, $4  }
0x108: {  	v21 =	vadd.s32 v1, v28;
	v18 =	vadd.f32 v24, v6;
	v16 =	vld [tilespmem:s9+$0xFFFFFFF0];
	[tilespmem:v27+s17+$0x0] =	vst.idx.msk $0xffff, v13  }
0x109: {  	v14 =	vadd.s32 v1, v11;
	v13 =	vmov s16;
	[tilespmem:v25+s17+$0x0] =	vst.idx.msk $0xffff, v15;
	v15 =	vld [tilespmem:s9+$0x30];
	v27 =	vadd.f32 v29, v4  }
0x10a: {  	s31 =	sadd.s32 $0x3, s16;
	v19 =	vadd.s32 v3, v10;
	v13 =	vand.u32 $0x7C, v13;
	v24 =	vadd.f32 v31, v6;
	[tilespmem:v32+s17+$0x0] =	vst.idx.msk $0xffff, v18;
	v18 =	vld [tilespmem:s9+$0xFFFFFFB0];
	s9 =	smov.u32 s10;
	s10 =	sadd.s32 $0x100, s10  }
0x10b: {  	v26 =	vmov s31;
	v10 =	vmovc v28;
	v20 =	vadd.s32 v3, v30;
	s16 =	sadd.s32 $0x4, s16;
	v23 =	vld [tilespmem:s10+$0x40];
	v25 =	vadd.f32 v33, v6;
	[tilespmem:v34+s17+$0x0] =	vst.idx.msk $0xffff, v27  }
0x10c: {  	s16 =	sadd.s32 $0x1, s11  }
0x10d: {  	v26 =	vand.u32 $0x7F, v26;
	v28 =	vld [tilespmem:s10+$0xFFFFFFC0];
	v27 =	vmov s16;
	s16 =	sadd.s32 $0x2, s11  }
0x10e: {  	v31 =	vld [tilespmem:s10+$0x0];
	v29 =	vadd.s32 v0, v26;
	v30 =	vmov s16;
	v27 =	vand.u32 $0x7D, v27  }
0x10f: {  	v32 =	vld [tilespmem:s10+$0xFFFFFF80];
	v33 =	vadd.s32 v0, v27;
	v30 =	vand.u32 $0x7E, v30  }
0x110: {  	v34 =	vadd.s32 v0, v30  }
0x111: {  	[tilespmem:v22+s17+$0x0] =	vst.idx.msk $0xffff, v24;
	v44 =	vadd.s32 v0, v13;
	v23 =	vadd.f32 v23, v9  }
0x112: {  	[tilespmem:v21+s17+$0x0] =	vst.idx.msk $0xffff, v25;
	v45 =	vadd.f32 v28, v9  }
0x113: {  	v46 =	vadd.f32 v31, v9;
	[tilespmem:v29+s17+$0x0] =	vst.idx.msk $0xffff, v23  }
0x114: {  	v47 =	vadd.f32 v32, v9;
	v48 =	vld [tilespmem:s10+$0x50];
	[tilespmem:v33+s17+$0x0] =	vst.idx.msk $0xffff, v45  }
0x115: {  	v17 =	vadd.f32 v17, v6;
	v12 =	vadd.s32 v3, v12;
	v21 =	vld [tilespmem:s10+$0xFFFFFFD0];
	[tilespmem:v34+s17+$0x0] =	vst.idx.msk $0xffff, v46  }
0x116: {  	v16 =	vadd.f32 v16, v4;
	v49 =	vadd.s32 v1, v26;
	[tilespmem:v44+s17+$0x0] =	vst.idx.msk $0xffff, v47;
	v50 =	vld [tilespmem:s10+$0x10]  }
0x117: {  	[tilespmem:v14+s17+$0x0] =	vst.idx.msk $0xffff, v17;
	v51 =	vadd.f32 v15, v4;
	v53 =	vadd.s32 v1, v27;
	v52 =	vld [tilespmem:s10+$0xFFFFFF90]  }
0x118: {  	v54 =	vld [tilespmem:s9+$0x60];
	v18 =	vadd.f32 v18, v4;
	[tilespmem:v19+s17+$0x0] =	vst.idx.msk $0xffff, v16;
	v55 =	vadd.s32 v1, v30  }
0x119: {  	v57 =	vadd.s32 v1, v13;
	v60 =	vld [tilespmem:s9+$0x20];
	[tilespmem:v20+s17+$0x0] =	vst.idx.msk $0xffff, v51;
	v58 =	vadd.f32 v48, v6  }
0x11a: {  	v59 =	vadd.s32 v2, v7;
	v56 =	vld [tilespmem:s9+$0xFFFFFFE0];
	[tilespmem:v12+s17+$0x0] =	vst.idx.msk $0xffff, v18;
	v61 =	vadd.f32 v21, v6  }
0x11b: {  	v62 =	vld [tilespmem:s9+$0xFFFFFFA0];
	v29 =	vadd.s32 v2, v11;
	[tilespmem:v49+s17+$0x0] =	vst.idx.msk $0xffff, v58;
	v28 =	vadd.f32 v50, v6  }
0x11c: {  	v63 =	vadd.s32 v2, v10;
	v31 =	vadd.f32 v52, v6;
	v32 =	vld [tilespmem:s10+$0x60];
	[tilespmem:v53+s17+$0x0] =	vst.idx.msk $0xffff, v61  }
0x11d: {  	v33 =	vadd.f32 v54, v5;
	v34 =	vadd.s32 v2, v8;
	[tilespmem:v55+s17+$0x0] =	vst.idx.msk $0xffff, v28;
	v35 =	vld [tilespmem:s10+$0xFFFFFFE0]  }
0x11e: {  	v37 =	vadd.s32 v2, v26;
	v39 =	vadd.f32 v60, v5;
	[tilespmem:v57+s17+$0x0] =	vst.idx.msk $0xffff, v31;
	v38 =	vld [tilespmem:s10+$0x20]  }
0x11f: {  	v41 =	vadd.s32 v2, v27;
	v36 =	vadd.f32 v56, v5;
	[tilespmem:v59+s17+$0x0] =	vst.idx.msk $0xffff, v33;
	v40 =	vld [tilespmem:s10+$0xFFFFFFA0]  }
0x120: {  	v43 =	vadd.s32 v2, v30;
	v18 =	vadd.f32 v62, v5;
	v42 =	vld [tilespmem:s9+$0x70];
	[tilespmem:v29+s17+$0x0] =	vst.idx.msk $0xffff, v39  }
0x121: {  	v45 =	vadd.s32 v2, v13;
	[tilespmem:v63+s17+$0x0] =	vst.idx.msk $0xffff, v36;
	v47 =	vld [tilespmem:s9+$0x30];
	v44 =	vadd.f32 v32, v5  }
0x122: {  	v46 =	vadd.s32 v3, v7;
	v21 =	vld [tilespmem:s9+$0xFFFFFFF0];
	[tilespmem:v34+s17+$0x0] =	vst.idx.msk $0xffff, v18;
	v9 =	vadd.f32 v35, v5  }
0x123: {  	v18 =	vld [tilespmem:s9+$0xFFFFFFB0];
	v50 =	vadd.s32 v3, v11;
	[tilespmem:v37+s17+$0x0] =	vst.idx.msk $0xffff, v44;
	v49 =	vadd.f32 v38, v5  }
0x124: {  	v48 =	vadd.s32 v3, v10;
	v12 =	vld [tilespmem:s10+$0x70];
	v5 =	vadd.f32 v40, v5;
	[tilespmem:v41+s17+$0x0] =	vst.idx.msk $0xffff, v9  }
0x125: {  	v52 =	vadd.s32 v3, v8;
	v51 =	vadd.f32 v42, v4;
	v53 =	vld [tilespmem:s10+$0xFFFFFFF0];
	[tilespmem:v43+s17+$0x0] =	vst.idx.msk $0xffff, v49  }
0x126: {  	v55 =	vadd.s32 v3, v26;
	v56 =	vadd.f32 v47, v4;
	[tilespmem:v45+s17+$0x0] =	vst.idx.msk $0xffff, v5;
	v5 =	vld [tilespmem:s10+$0x30]  }
0x127: {  	v58 =	vadd.s32 v3, v27;
	[tilespmem:v46+s17+$0x0] =	vst.idx.msk $0xffff, v51;
	v54 =	vadd.f32 v21, v4;
	v57 =	vld [tilespmem:s10+$0xFFFFFFB0]  }
0x128: {  	v60 =	vadd.s32 v3, v30;
	v59 =	vadd.f32 v18, v4;
	[tilespmem:v50+s17+$0x0] =	vst.idx.msk $0xffff, v56  }
0x129: {  	v62 =	vadd.s32 v3, v13;
	[tilespmem:v48+s17+$0x0] =	vst.idx.msk $0xffff, v54;
	v61 =	vadd.f32 v12, v4  }
0x12a: {  	[tilespmem:v52+s17+$0x0] =	vst.idx.msk $0xffff, v59;
	v63 =	vadd.f32 v53, v4  }
0x12b: {  	s25 =	sshll.u32 s25, $0x7;
	[tilespmem:v55+s17+$0x0] =	vst.idx.msk $0xffff, v61;
	v5 =	vadd.f32 v5, v4  }
0x12c: {  	s9 =	sand.u32 $0xE80, s25;
	v4 =	vadd.f32 v57, v4;
	[tilespmem:v58+s17+$0x0] =	vst.idx.msk $0xffff, v63  }
0x12d: {  	s31 =	sshll.u32 s23, $0xF;
	s9 =	sadd.s32 s3, s9;
	[tilespmem:v60+s17+$0x0] =	vst.idx.msk $0xffff, v5  }
0x12e: {  	s11 =	simm.s32 $0xA400;
	s10 =	sadd.s32 s31, s9;
	[tilespmem:v62+s17+$0x0] =	vst.idx.msk $0xffff, v4  }
0x12f: {  	[hbm4b:s10+s4] =	stream.linear.scatter [tilespmem:s11], [sflag:$0x6], $0x80, $0x38;
	[tilespmem:$0x13C00] =	vst v63  }
0x130: {  	s16 =	simm.s32 $0xA488;
	s23 =	sadd.s32 $0x10, s10  }
0x131: {  	[hbm4b:s23+s4] =	stream.linear.scatter [tilespmem:s16], [sflag:$0x6], $0x80, $0x38;
	[tilespmem:$0x13C00] =	vst v63  }
0x132: {  	s25 =	simm.s32 $0xA510;
	s9 =	simm.s32 $0x440;
	s31 =	sadd.s32 $0x20, s10  }
0x133: {  	[hbm4b:s31+s4] =	stream.linear.scatter [tilespmem:s25], [sflag:$0x6], $0x80, $0x38;
	[tilespmem:$0x13C00] =	vst v63  }
0x134: {  	s11 =	simm.s32 $0x2200;
	s16 =	simm.s32 $0xA598;
	s23 =	sadd.s32 $0x30, s10  }
0x135: {  	[hbm4b:s23+s4] =	stream.linear.scatter [tilespmem:s16], [sflag:$0x6], $0x80, $0x38;
	[tilespmem:$0x13C00] =	vst v63  }
0x136: {  	s25 =	simm.s32 $0xA620;
	s31 =	sadd.s32 $0x40, s10;
	s16 =	simm.s32 $0xA6A8  }
0x137: {  	[hbm4b:s31+s4] =	stream.linear.scatter [tilespmem:s25], [sflag:$0x6], $0x80, $0x38;
	[tilespmem:$0x13C00] =	vst v63  }
0x138: {  	s23 =	sadd.s32 $0x50, s10;
	s25 =	simm.s32 $0xA730;
	s31 =	sadd.s32 $0x60, s10  }
0x139: {  	[hbm4b:s23+s4] =	stream.linear.scatter [tilespmem:s16], [sflag:$0x6], $0x80, $0x38;
	[tilespmem:$0x13C00] =	vst v63  }
0x13a: {  	s16 =	simm.s32 $0xA7B8;
	s23 =	sadd.s32 $0x70, s10;
	s10 =	sadd.s32 $0x1000, s10  }
0x13b: {  	[hbm4b:s31+s4] =	stream.linear.scatter [tilespmem:s25], [sflag:$0x6], $0x80, $0x38;
	[tilespmem:$0x13C00] =	vst v63  }
.LBB2_12:
0x13c: {  	[hbm4b:s23+s4] =	stream.linear.scatter [tilespmem:s16], [sflag:$0x6], $0x80, $0x38;
	[tilespmem:$0x13C00] =	vst v63  }
0x13d: {  	s16 =	smov.u32 s9;
	s9 =	smov.u32 s11  }
0x13e: {  	s25 =	sadd.s32 $0x1100, s11;
	s9 =	sshra.s32 s9, $0x2;
	s23 =	sadd.s32 $0xA400, s16  }
0x13f: {  	[hbm4b:s10+s4] =	stream.linear.scatter [tilespmem:s23], [sflag:$0x6], $0x80, $0x38;
	[tilespmem:$0x13C00] =	vst v63  }
0x140: {  	p2 =	sne.s32 s11, $0x7700;
	s11 =	sadd.s32 $0xA488, s16;
	s23 =	sadd.s32 $0x10, s10  }
0x141: {  	[hbm4b:s23+s4] =	stream.linear.scatter [tilespmem:s11], [sflag:$0x6], $0x80, $0x38;
	[tilespmem:$0x13C00] =	vst v63  }
0x142: {  	s11 =	sadd.s32 $0xA510, s16;
	s23 =	sadd.s32 $0x20, s10  }
0x143: {  	[hbm4b:s23+s4] =	stream.linear.scatter [tilespmem:s11], [sflag:$0x6], $0x80, $0x38;
	[tilespmem:$0x13C00] =	vst v63  }
0x144: {  	s11 =	sadd.s32 $0xA598, s16;
	s23 =	sadd.s32 $0x30, s10  }
0x145: {  	[hbm4b:s23+s4] =	stream.linear.scatter [tilespmem:s11], [sflag:$0x6], $0x80, $0x38;
	[tilespmem:$0x13C00] =	vst v63  }
0x146: {  	s11 =	sadd.s32 $0xA620, s16;
	s23 =	sadd.s32 $0x40, s10  }
0x147: {  	[hbm4b:s23+s4] =	stream.linear.scatter [tilespmem:s11], [sflag:$0x6], $0x80, $0x38;
	[tilespmem:$0x13C00] =	vst v63  }
.Ltmp5:
0x148: {  	s11 =	sadd.s32 $0xA6A8, s16;
	s23 =	sadd.s32 $0x50, s10;
	(pc) =	sbr.rel @p2 .LBB2_12-.Ltmp5, $4  }
0x149: {  	[hbm4b:s23+s4] =	stream.linear.scatter [tilespmem:s11], [sflag:$0x6], $0x80, $0x38;
	[tilespmem:$0x13C00] =	vst v63  }
0x14a: {  	s11 =	sadd.s32 $0xA730, s16;
	s23 =	sadd.s32 $0x60, s10;
	s16 =	sadd.s32 $0xA7B8, s16  }
0x14b: {  	[hbm4b:s23+s4] =	stream.linear.scatter [tilespmem:s11], [sflag:$0x6], $0x80, $0x38;
	[tilespmem:$0x13C00] =	vst v63  }
0x14c: {  	s23 =	sadd.s32 $0x70, s10;
	s10 =	sadd.s32 $0x1000, s10;
	s11 =	smov.u32 s25  }
0x14d: {  	[hbm4b:s23+s4] =	stream.linear.scatter [tilespmem:s16], [sflag:$0x6], $0x80, $0x38;
	[tilespmem:$0x13C00] =	vst v63  }
0x14e: {  	s11 =	sadd.s32 $0xA400, s9  }
0x14f: {  	[hbm4b:s10+s4] =	stream.linear.scatter [tilespmem:s11], [sflag:$0x6], $0x80, $0x38;
	[tilespmem:$0x13C00] =	vst v63  }
0x150: {  	s16 =	sadd.s32 $0xA488, s9;
	s23 =	sadd.s32 $0x10, s10  }
0x151: {  	[hbm4b:s23+s4] =	stream.linear.scatter [tilespmem:s16], [sflag:$0x6], $0x80, $0x38;
	[tilespmem:$0x13C00] =	vst v63  }
0x152: {  	s25 =	sadd.s32 $0xA510, s9;
	s31 =	sadd.s32 $0x20, s10  }
0x153: {  	[hbm4b:s31+s4] =	stream.linear.scatter [tilespmem:s25], [sflag:$0x6], $0x80, $0x38;
	[tilespmem:$0x13C00] =	vst v63  }
0x154: {  	s16 =	sadd.s32 $0xA598, s9;
	s23 =	sadd.s32 $0x30, s10  }
0x155: {  	[hbm4b:s23+s4] =	stream.linear.scatter [tilespmem:s16], [sflag:$0x6], $0x80, $0x38;
	[tilespmem:$0x13C00] =	vst v63  }
0x156: {  	s25 =	sadd.s32 $0xA620, s9;
	s31 =	sadd.s32 $0x40, s10  }
0x157: {  	[hbm4b:s31+s4] =	stream.linear.scatter [tilespmem:s25], [sflag:$0x6], $0x80, $0x38;
	[tilespmem:$0x13C00] =	vst v63  }
0x158: {  	s16 =	sadd.s32 $0xA6A8, s9;
	s23 =	sadd.s32 $0x50, s10  }
0x159: {  	[hbm4b:s23+s4] =	stream.linear.scatter [tilespmem:s16], [sflag:$0x6], $0x80, $0x38;
	[tilespmem:$0x13C00] =	vst v63  }
0x15a: {  	s25 =	sadd.s32 $0xA730, s9;
	s31 =	sadd.s32 $0x60, s10  }
0x15b: {  	[hbm4b:s31+s4] =	stream.linear.scatter [tilespmem:s25], [sflag:$0x6], $0x80, $0x38;
	[tilespmem:$0x13C00] =	vst v63  }
0x15c: {  	s23 =	sadd.s32 $0xA7B8, s9;
	s25 =	sadd.s32 $0x70, s10  }
0x15d: {  	[hbm4b:s25+s4] =	stream.linear.scatter [tilespmem:s23], [sflag:$0x6], $0x80, $0x38;
	[tilespmem:$0x13C00] =	vst v63  }
0x15e: {  	_ =	swait.ge [sflag:s22], $0x2000  }
0x15f: {  	[sflag:s22] =	ssyncset.done $0x0  }
0x160: {  	s9 =	simm.s32 @!p0 $0xA;
	[sflag:s22] =	ssyncadd.s32 $0xFFFFE000  }
0x161: {  	_ =	swait.ge @!p0 [sflag:s9], $0x80  }
0x162: {  	[sflag:s9] =	ssyncset.done @!p0 $0x0  }
0x163: {  	s10 =	simm.s32 @!p0 $0x2200;
	[sflag:s9] =	ssyncadd.s32 @!p0 $0xFFFFFF80;
	s9 =	simm.s32 @!p0 $0x80  }
0x164: {  	[tilespmem:s10], [sflag:$0x2] =	stream.indirect.gather @!p0 [hbm4b:s5+s9], $0x40, s9, s9, $0xb8;
	[tilespmem:$0x13C00] =	vst v63  }
0x165: {  	s9 =	sadd.s32 @!p0 s18, s14  }
0x166: {  	s10 =	sshll.u32 @!p0 s9, $0x7;
	s11 =	sshll.u32 @!p0 s9, $0xA  }
0x167: {  	s9 =	sshll.u32 @!p0 s9, $0x2;
	s10 =	sand.u32 @!p0 $0x7FFF8000, s10;
	s11 =	sand.u32 @!p0 $0x7800, s11  }
0x168: {  	s9 =	sand.u32 @!p0 $0x380, s9;
	s10 =	sor.u32 @!p0 s11, s10  }
0x169: {  	s9 =	sor.u32 @!p0 s9, s10  }
0x16a: {  	s9 =	sshrl.u32 @!p0 s9, $0x3  }
0x16b: {  	s11 =	simm.s32 @!p0 $0x100;
	s10 =	simm.s32 @!p0 $0x0;
	s9 =	sadd.s32 @!p0 s1, s9  }
0x16c: {  	[tilespmem:s11], [sflag:$0xB] =	stream.linear.gather @!p0 [hbm4b:s9+s10], $0x80, $0x38;
	[tilespmem:$0x13C00] =	vst v63  }
0x16d: {  	s25 =	sadd.s32 $0x2, s21;
	s9 =	simm.s32 @!p1 $0x7  }
0x16e: {  	s23 =	sshrl.u32 s25, $0x5;
	_ =	swait.ge @!p1 [sflag:s9], $0x2000  }
0x16f: {  	s31 =	sshll.u32 s23, $0x6;
	[sflag:s9] =	ssyncset.done @!p1 $0x0  }
0x170: {  	[sflag:s9] =	ssyncadd.s32 @!p1 $0xFFFFE000;
	s9 =	sand.u32 $0x3FFFFFC0, s31  }
0x171: {  	s16 =	simm.s32 $0x4280;
	s11 =	simm.s32 $0x3;
	v9 =	vld [tilespmem:s9+$0x10A00]  }
0x172: {  	v4 =	vmov s11;
	v7 =	vld [tilespmem:s16+$0x40]  }
0x173: {  	v13 =	vand.u32 $0x7F, v4  }
0x174: {  	s31 =	simm.s32 $0x0;
	v8 =	vadd.s32 v0, v13;
	v6 =	vld [tilespmem:s9+$0x10A10]  }
0x175: {  	s11 =	simm.s32 $0x1;
	v4 =	vmov s31;
	v10 =	vld [tilespmem:s16+$0xFFFFFF80];
	s31 =	simm.s32 $0x2  }
0x176: {  	v11 =	vld [tilespmem:s16+$0xFFFFFFC0];
	v12 =	vand.u32 $0x7C, v4;
	v4 =	vmov s11;
	v14 =	vmov s31  }
0x177: {  	v16 =	vld [tilespmem:s16+$0x0];
	v15 =	vadd.s32 v0, v12;
	v19 =	vand.u32 $0x7D, v4;
	v7 =	vadd.f32 v7, v9  }
0x178: {  	v5 =	vld [tilespmem:s9+$0x10A20];
	v20 =	vand.u32 $0x7E, v14;
	v17 =	vadd.s32 v0, v19  }
0x179: {  	v4 =	vld [tilespmem:s9+$0x10A30];
	v14 =	vadd.s32 v0, v20;
	[tilespmem:v8+s24+$0x0] =	vst.idx.msk $0xffff, v7  }
0x17a: {  	v7 =	vadd.f32 v10, v9;
	v8 =	vld [tilespmem:s16+$0x50]  }
0x17b: {  	v10 =	vadd.f32 v11, v9  }
0x17c: {  	v11 =	vadd.s32 v1, v13;
	[tilespmem:v15+s24+$0x0] =	vst.idx.msk $0xffff, v7;
	v7 =	vadd.f32 v16, v9  }
0x17d: {  	[tilespmem:v17+s24+$0x0] =	vst.idx.msk $0xffff, v10;
	v15 =	vld [tilespmem:s16+$0xFFFFFF90]  }
0x17e: {  	v10 =	vld [tilespmem:s16+$0xFFFFFFD0];
	[tilespmem:v14+s24+$0x0] =	vst.idx.msk $0xffff, v7  }
0x17f: {  	v14 =	vld [tilespmem:s16+$0x10];
	v7 =	vadd.f32 v8, v6  }
0x180: {  	s31 =	simm.s32 $0x7;
	s9 =	simm.s32 $0x4380;
	v16 =	vadd.s32 v1, v19  }
0x181: {  	v26 =	vadd.s32 v2, v13;
	s11 =	simm.s32 $0x4;
	v18 =	vld [tilespmem:s9+$0x40];
	v17 =	vadd.s32 v1, v20;
	[tilespmem:v11+s24+$0x0] =	vst.idx.msk $0xffff, v7;
	v7 =	vmov s31  }
0x182: {  	v21 =	vadd.s32 v1, v12;
	v8 =	vmov s11;
	v7 =	vand.u32 $0x7F, v7;
	v22 =	vld [tilespmem:s16+$0x60]  }
0x183: {  	v23 =	vld [tilespmem:s9+$0xFFFFFF80];
	s11 =	simm.s32 $0x5;
	v8 =	vand.u32 $0x7C, v8;
	v10 =	vadd.f32 v10, v6;
	v24 =	vadd.s32 v0, v7  }
0x184: {  	v25 =	vld [tilespmem:s9+$0xFFFFFFC0];
	v15 =	vadd.f32 v15, v6;
	s31 =	simm.s32 $0x6;
	v11 =	vadd.f32 v14, v6;
	v14 =	vmov s11  }
0x185: {  	v27 =	vadd.s32 v0, v8;
	[tilespmem:v16+s24+$0x0] =	vst.idx.msk $0xffff, v10;
	v16 =	vmov s31;
	v10 =	vand.u32 $0x7D, v14;
	v14 =	vld [tilespmem:s9+$0x0]  }
0x186: {  	[tilespmem:v17+s24+$0x0] =	vst.idx.msk $0xffff, v11;
	v17 =	vadd.s32 v0, v10;
	v11 =	vand.u32 $0x7E, v16;
	v16 =	vadd.f32 v18, v9;
	v18 =	vld [tilespmem:s16+$0xFFFFFFE0]  }
0x187: {  	[tilespmem:v21+s24+$0x0] =	vst.idx.msk $0xffff, v15;
	v15 =	vadd.s32 v0, v11;
	v21 =	vld [tilespmem:s16+$0x20];
	v22 =	vadd.f32 v22, v5  }
0x188: {  	v23 =	vadd.f32 v23, v9;
	[tilespmem:v24+s24+$0x0] =	vst.idx.msk $0xffff, v16;
	v16 =	vld [tilespmem:s16+$0xFFFFFFA0];
	v24 =	vadd.s32 v2, v19  }
0x189: {  	v29 =	vadd.s32 v2, v20;
	v25 =	vadd.f32 v25, v9;
	v28 =	vld [tilespmem:s9+$0x50];
	[tilespmem:v26+s24+$0x0] =	vst.idx.msk $0xffff, v22  }
0x18a: {  	[tilespmem:v27+s24+$0x0] =	vst.idx.msk $0xffff, v23;
	v23 =	vadd.s32 v2, v12;
	v14 =	vadd.f32 v14, v9;
	v26 =	vld [tilespmem:s16+$0x70]  }
0x18b: {  	v27 =	vld [tilespmem:s9+$0xFFFFFF90];
	[tilespmem:v17+s24+$0x0] =	vst.idx.msk $0xffff, v25;
	v25 =	vadd.s32 v1, v7;
	v18 =	vadd.f32 v18, v5  }
0x18c: {  	v31 =	vadd.s32 v3, v13;
	v30 =	vld [tilespmem:s9+$0xFFFFFFD0];
	[tilespmem:v15+s24+$0x0] =	vst.idx.msk $0xffff, v14;
	v14 =	vadd.f32 v21, v5  }
0x18d: {  	v22 =	vadd.s32 v1, v8;
	v17 =	vld [tilespmem:s9+$0x10];
	v13 =	vadd.f32 v16, v5;
	[tilespmem:v24+s24+$0x0] =	vst.idx.msk $0xffff, v18  }
0x18e: {  	s11 =	simm.s32 $0x8;
	v21 =	vadd.s32 v1, v10;
	[tilespmem:v29+s24+$0x0] =	vst.idx.msk $0xffff, v14;
	v18 =	vadd.f32 v28, v6;
	v16 =	vld [tilespmem:s16+$0xFFFFFFF0]  }
0x18f: {  	v24 =	vmov s11;
	v14 =	vadd.s32 v1, v11;
	v15 =	vld [tilespmem:s16+$0x30];
	[tilespmem:v23+s24+$0x0] =	vst.idx.msk $0xffff, v13;
	v63 =	vadd.f32 v26, v4  }
0x190: {  	s10 =	simm.s32 $0x4480;
	s31 =	simm.s32 $0xB;
	v19 =	vadd.s32 v3, v19;
	v13 =	vand.u32 $0x7C, v24;
	v24 =	vadd.f32 v27, v6;
	[tilespmem:v25+s24+$0x0] =	vst.idx.msk $0xffff, v18;
	v18 =	vld [tilespmem:s16+$0xFFFFFFB0]  }
0x191: {  	v20 =	vadd.s32 v3, v20;
	v26 =	vmov s31;
	v23 =	vld [tilespmem:s10+$0x40];
	s16 =	simm.s32 $0xC;
	v25 =	vadd.f32 v30, v6;
	[tilespmem:v31+s24+$0x0] =	vst.idx.msk $0xffff, v63  }
.LBB2_14:
0x192: {  	p2 =	slt.u32 s16, $0x7C;
	s31 =	sadd.s32 $0x1, s11;
	v26 =	vand.u32 $0x7F, v26;
	[tilespmem:v22+s24+$0x0] =	vst.idx.msk $0xffff, v24;
	v17 =	vadd.f32 v17, v6;
	v22 =	vld [tilespmem:s9+$0x60];
	v24 =	vadd.s32 v3, v12  }
0x193: {  	v30 =	vmovc v11;
	v27 =	vld [tilespmem:s10+$0xFFFFFF80];
	v28 =	vmov s31;
	s31 =	sadd.s32 $0x2, s11;
	v29 =	vadd.s32 v0, v26;
	[tilespmem:v21+s24+$0x0] =	vst.idx.msk $0xffff, v25;
	v16 =	vadd.f32 v16, v4;
	s11 =	smov.u32 s16  }
0x194: {  	v12 =	vmovc v8;
	v21 =	vld [tilespmem:s10+$0xFFFFFFC0];
	v11 =	vmov s31;
	[tilespmem:v14+s24+$0x0] =	vst.idx.msk $0xffff, v17;
	v14 =	vadd.s32 v2, v7;
	v15 =	vadd.f32 v15, v4  }
0x195: {  	v17 =	vadd.s32 v0, v13;
	v28 =	vand.u32 $0x7D, v28;
	v25 =	vld [tilespmem:s10+$0x0];
	v31 =	vadd.f32 v18, v4;
	[tilespmem:v19+s24+$0x0] =	vst.idx.msk $0xffff, v16  }
0x196: {  	v16 =	vadd.s32 v0, v28;
	v11 =	vand.u32 $0x7E, v11;
	v18 =	vadd.f32 v23, v9;
	v19 =	vld [tilespmem:s9+$0xFFFFFFE0];
	[tilespmem:v20+s24+$0x0] =	vst.idx.msk $0xffff, v15  }
0x197: {  	v8 =	vmov v13;
	v15 =	vadd.s32 v0, v11;
	v20 =	vld [tilespmem:s9+$0x20];
	v22 =	vadd.f32 v22, v5;
	[tilespmem:v24+s24+$0x0] =	vst.idx.msk $0xffff, v31  }
0x198: {  	v23 =	vadd.s32 v2, v10;
	v13 =	vadd.f32 v27, v9;
	[tilespmem:v29+s24+$0x0] =	vst.idx.msk $0xffff, v18;
	v18 =	vld [tilespmem:s9+$0xFFFFFFA0]  }
0x199: {  	v27 =	vadd.s32 v2, v30;
	v21 =	vadd.f32 v21, v9;
	v24 =	vld [tilespmem:s10+$0x50];
	[tilespmem:v14+s24+$0x0] =	vst.idx.msk $0xffff, v22  }
0x19a: {  	[tilespmem:v17+s24+$0x0] =	vst.idx.msk $0xffff, v13;
	v13 =	vadd.f32 v25, v9;
	v25 =	vadd.s32 v2, v12;
	v29 =	vld [tilespmem:s9+$0x70]  }
0x19b: {  	v32 =	vadd.s32 v1, v26;
	v31 =	vld [tilespmem:s10+$0xFFFFFF90];
	[tilespmem:v16+s24+$0x0] =	vst.idx.msk $0xffff, v21;
	v14 =	vadd.f32 v19, v5  }
0x19c: {  	v34 =	vadd.s32 v3, v7;
	v7 =	vmov v26;
	v33 =	vld [tilespmem:s10+$0xFFFFFFD0];
	[tilespmem:v15+s24+$0x0] =	vst.idx.msk $0xffff, v13;
	v13 =	vadd.f32 v20, v5  }
.Ltmp6:
0x19d: {  	v22 =	vadd.s32 v1, v8;
	v17 =	vld [tilespmem:s10+$0x10];
	v15 =	vadd.f32 v18, v5;
	[tilespmem:v23+s24+$0x0] =	vst.idx.msk $0xffff, v14;
	(pc) =	sbr.rel @p2 .LBB2_14-.Ltmp6, $4  }
0x19e: {  	v21 =	vadd.s32 v1, v28;
	v18 =	vadd.f32 v24, v6;
	v16 =	vld [tilespmem:s9+$0xFFFFFFF0];
	[tilespmem:v27+s24+$0x0] =	vst.idx.msk $0xffff, v13  }
0x19f: {  	v14 =	vadd.s32 v1, v11;
	v13 =	vmov s16;
	[tilespmem:v25+s24+$0x0] =	vst.idx.msk $0xffff, v15;
	v15 =	vld [tilespmem:s9+$0x30];
	v27 =	vadd.f32 v29, v4  }
0x1a0: {  	s31 =	sadd.s32 $0x3, s16;
	v19 =	vadd.s32 v3, v10;
	v13 =	vand.u32 $0x7C, v13;
	v24 =	vadd.f32 v31, v6;
	[tilespmem:v32+s24+$0x0] =	vst.idx.msk $0xffff, v18;
	v18 =	vld [tilespmem:s9+$0xFFFFFFB0];
	s9 =	smov.u32 s10;
	s10 =	sadd.s32 $0x100, s10  }
0x1a1: {  	v26 =	vmov s31;
	v10 =	vmovc v28;
	v20 =	vadd.s32 v3, v30;
	s16 =	sadd.s32 $0x4, s16;
	v23 =	vld [tilespmem:s10+$0x40];
	v25 =	vadd.f32 v33, v6;
	[tilespmem:v34+s24+$0x0] =	vst.idx.msk $0xffff, v27  }
0x1a2: {  	s16 =	sadd.s32 $0x1, s11  }
0x1a3: {  	v26 =	vand.u32 $0x7F, v26;
	v28 =	vld [tilespmem:s10+$0xFFFFFFC0];
	v27 =	vmov s16;
	s16 =	sadd.s32 $0x2, s11  }
0x1a4: {  	v31 =	vld [tilespmem:s10+$0x0];
	v29 =	vadd.s32 v0, v26;
	v30 =	vmov s16;
	v27 =	vand.u32 $0x7D, v27  }
0x1a5: {  	v32 =	vld [tilespmem:s10+$0xFFFFFF80];
	v33 =	vadd.s32 v0, v27;
	v30 =	vand.u32 $0x7E, v30  }
0x1a6: {  	v34 =	vadd.s32 v0, v30  }
0x1a7: {  	[tilespmem:v22+s24+$0x0] =	vst.idx.msk $0xffff, v24;
	v44 =	vadd.s32 v0, v13;
	v23 =	vadd.f32 v23, v9  }
0x1a8: {  	[tilespmem:v21+s24+$0x0] =	vst.idx.msk $0xffff, v25;
	v45 =	vadd.f32 v28, v9  }
0x1a9: {  	v46 =	vadd.f32 v31, v9;
	[tilespmem:v29+s24+$0x0] =	vst.idx.msk $0xffff, v23  }
0x1aa: {  	v47 =	vadd.f32 v32, v9;
	v48 =	vld [tilespmem:s10+$0x50];
	[tilespmem:v33+s24+$0x0] =	vst.idx.msk $0xffff, v45  }
0x1ab: {  	v17 =	vadd.f32 v17, v6;
	v12 =	vadd.s32 v3, v12;
	v21 =	vld [tilespmem:s10+$0xFFFFFFD0];
	[tilespmem:v34+s24+$0x0] =	vst.idx.msk $0xffff, v46  }
0x1ac: {  	v16 =	vadd.f32 v16, v4;
	v49 =	vadd.s32 v1, v26;
	[tilespmem:v44+s24+$0x0] =	vst.idx.msk $0xffff, v47;
	v50 =	vld [tilespmem:s10+$0x10]  }
0x1ad: {  	[tilespmem:v14+s24+$0x0] =	vst.idx.msk $0xffff, v17;
	v51 =	vadd.f32 v15, v4;
	v53 =	vadd.s32 v1, v27;
	v52 =	vld [tilespmem:s10+$0xFFFFFF90]  }
0x1ae: {  	v54 =	vld [tilespmem:s9+$0x60];
	v18 =	vadd.f32 v18, v4;
	[tilespmem:v19+s24+$0x0] =	vst.idx.msk $0xffff, v16;
	v55 =	vadd.s32 v1, v30  }
0x1af: {  	v57 =	vadd.s32 v1, v13;
	v60 =	vld [tilespmem:s9+$0x20];
	[tilespmem:v20+s24+$0x0] =	vst.idx.msk $0xffff, v51;
	v58 =	vadd.f32 v48, v6  }
0x1b0: {  	v59 =	vadd.s32 v2, v7;
	v56 =	vld [tilespmem:s9+$0xFFFFFFE0];
	[tilespmem:v12+s24+$0x0] =	vst.idx.msk $0xffff, v18;
	v61 =	vadd.f32 v21, v6  }
0x1b1: {  	v62 =	vld [tilespmem:s9+$0xFFFFFFA0];
	v29 =	vadd.s32 v2, v11;
	[tilespmem:v49+s24+$0x0] =	vst.idx.msk $0xffff, v58;
	v28 =	vadd.f32 v50, v6  }
0x1b2: {  	v63 =	vadd.s32 v2, v10;
	v31 =	vadd.f32 v52, v6;
	v32 =	vld [tilespmem:s10+$0x60];
	[tilespmem:v53+s24+$0x0] =	vst.idx.msk $0xffff, v61  }
0x1b3: {  	v33 =	vadd.f32 v54, v5;
	v34 =	vadd.s32 v2, v8;
	[tilespmem:v55+s24+$0x0] =	vst.idx.msk $0xffff, v28;
	v35 =	vld [tilespmem:s10+$0xFFFFFFE0]  }
0x1b4: {  	v37 =	vadd.s32 v2, v26;
	v39 =	vadd.f32 v60, v5;
	[tilespmem:v57+s24+$0x0] =	vst.idx.msk $0xffff, v31;
	v38 =	vld [tilespmem:s10+$0x20]  }
0x1b5: {  	v41 =	vadd.s32 v2, v27;
	v36 =	vadd.f32 v56, v5;
	[tilespmem:v59+s24+$0x0] =	vst.idx.msk $0xffff, v33;
	v40 =	vld [tilespmem:s10+$0xFFFFFFA0]  }
0x1b6: {  	v43 =	vadd.s32 v2, v30;
	v18 =	vadd.f32 v62, v5;
	v42 =	vld [tilespmem:s9+$0x70];
	[tilespmem:v29+s24+$0x0] =	vst.idx.msk $0xffff, v39  }
0x1b7: {  	v45 =	vadd.s32 v2, v13;
	[tilespmem:v63+s24+$0x0] =	vst.idx.msk $0xffff, v36;
	v47 =	vld [tilespmem:s9+$0x30];
	v44 =	vadd.f32 v32, v5  }
0x1b8: {  	v46 =	vadd.s32 v3, v7;
	v21 =	vld [tilespmem:s9+$0xFFFFFFF0];
	[tilespmem:v34+s24+$0x0] =	vst.idx.msk $0xffff, v18;
	v9 =	vadd.f32 v35, v5  }
0x1b9: {  	v18 =	vld [tilespmem:s9+$0xFFFFFFB0];
	v50 =	vadd.s32 v3, v11;
	[tilespmem:v37+s24+$0x0] =	vst.idx.msk $0xffff, v44;
	v49 =	vadd.f32 v38, v5  }
0x1ba: {  	v48 =	vadd.s32 v3, v10;
	v12 =	vld [tilespmem:s10+$0x70];
	v5 =	vadd.f32 v40, v5;
	[tilespmem:v41+s24+$0x0] =	vst.idx.msk $0xffff, v9  }
0x1bb: {  	v52 =	vadd.s32 v3, v8;
	v51 =	vadd.f32 v42, v4;
	v53 =	vld [tilespmem:s10+$0xFFFFFFF0];
	[tilespmem:v43+s24+$0x0] =	vst.idx.msk $0xffff, v49  }
0x1bc: {  	v55 =	vadd.s32 v3, v26;
	v56 =	vadd.f32 v47, v4;
	[tilespmem:v45+s24+$0x0] =	vst.idx.msk $0xffff, v5;
	v5 =	vld [tilespmem:s10+$0x30]  }
0x1bd: {  	v58 =	vadd.s32 v3, v27;
	[tilespmem:v46+s24+$0x0] =	vst.idx.msk $0xffff, v51;
	v54 =	vadd.f32 v21, v4;
	v57 =	vld [tilespmem:s10+$0xFFFFFFB0]  }
0x1be: {  	v60 =	vadd.s32 v3, v30;
	v59 =	vadd.f32 v18, v4;
	[tilespmem:v50+s24+$0x0] =	vst.idx.msk $0xffff, v56  }
0x1bf: {  	v62 =	vadd.s32 v3, v13;
	[tilespmem:v48+s24+$0x0] =	vst.idx.msk $0xffff, v54;
	v61 =	vadd.f32 v12, v4  }
0x1c0: {  	[tilespmem:v52+s24+$0x0] =	vst.idx.msk $0xffff, v59;
	v63 =	vadd.f32 v53, v4  }
0x1c1: {  	s25 =	sshll.u32 s25, $0x7;
	[tilespmem:v55+s24+$0x0] =	vst.idx.msk $0xffff, v61;
	v5 =	vadd.f32 v5, v4  }
0x1c2: {  	s9 =	sand.u32 $0xF00, s25;
	v4 =	vadd.f32 v57, v4;
	[tilespmem:v58+s24+$0x0] =	vst.idx.msk $0xffff, v63  }
0x1c3: {  	s31 =	sshll.u32 s23, $0xF;
	s9 =	sadd.s32 s3, s9;
	[tilespmem:v60+s24+$0x0] =	vst.idx.msk $0xffff, v5  }
0x1c4: {  	s11 =	simm.s32 $0xC600;
	s10 =	sadd.s32 s31, s9;
	[tilespmem:v62+s24+$0x0] =	vst.idx.msk $0xffff, v4  }
0x1c5: {  	[hbm4b:s10+s4] =	stream.linear.scatter [tilespmem:s11], [sflag:$0x7], $0x80, $0x38;
	[tilespmem:$0x13C00] =	vst v63  }
0x1c6: {  	s16 =	simm.s32 $0xC688;
	s23 =	sadd.s32 $0x10, s10  }
0x1c7: {  	[hbm4b:s23+s4] =	stream.linear.scatter [tilespmem:s16], [sflag:$0x7], $0x80, $0x38;
	[tilespmem:$0x13C00] =	vst v63  }
0x1c8: {  	s25 =	simm.s32 $0xC710;
	s9 =	simm.s32 $0x440;
	s31 =	sadd.s32 $0x20, s10  }
0x1c9: {  	[hbm4b:s31+s4] =	stream.linear.scatter [tilespmem:s25], [sflag:$0x7], $0x80, $0x38;
	[tilespmem:$0x13C00] =	vst v63  }
0x1ca: {  	s11 =	simm.s32 $0x2200;
	s16 =	simm.s32 $0xC798;
	s23 =	sadd.s32 $0x30, s10  }
0x1cb: {  	[hbm4b:s23+s4] =	stream.linear.scatter [tilespmem:s16], [sflag:$0x7], $0x80, $0x38;
	[tilespmem:$0x13C00] =	vst v63  }
0x1cc: {  	s25 =	simm.s32 $0xC820;
	s31 =	sadd.s32 $0x40, s10;
	s16 =	simm.s32 $0xC8A8  }
0x1cd: {  	[hbm4b:s31+s4] =	stream.linear.scatter [tilespmem:s25], [sflag:$0x7], $0x80, $0x38;
	[tilespmem:$0x13C00] =	vst v63  }
0x1ce: {  	s23 =	sadd.s32 $0x50, s10;
	s25 =	simm.s32 $0xC930;
	s31 =	sadd.s32 $0x60, s10  }
0x1cf: {  	[hbm4b:s23+s4] =	stream.linear.scatter [tilespmem:s16], [sflag:$0x7], $0x80, $0x38;
	[tilespmem:$0x13C00] =	vst v63  }
0x1d0: {  	s16 =	simm.s32 $0xC9B8;
	s23 =	sadd.s32 $0x70, s10;
	s10 =	sadd.s32 $0x1000, s10  }
0x1d1: {  	[hbm4b:s31+s4] =	stream.linear.scatter [tilespmem:s25], [sflag:$0x7], $0x80, $0x38;
	[tilespmem:$0x13C00] =	vst v63  }
.LBB2_16:
0x1d2: {  	[hbm4b:s23+s4] =	stream.linear.scatter [tilespmem:s16], [sflag:$0x7], $0x80, $0x38;
	[tilespmem:$0x13C00] =	vst v63  }
0x1d3: {  	s16 =	smov.u32 s9;
	s9 =	smov.u32 s11  }
0x1d4: {  	s25 =	sadd.s32 $0x1100, s11;
	s9 =	sshra.s32 s9, $0x2;
	s23 =	sadd.s32 $0xC600, s16  }
0x1d5: {  	[hbm4b:s10+s4] =	stream.linear.scatter [tilespmem:s23], [sflag:$0x7], $0x80, $0x38;
	[tilespmem:$0x13C00] =	vst v63  }
0x1d6: {  	p2 =	sne.s32 s11, $0x7700;
	s11 =	sadd.s32 $0xC688, s16;
	s23 =	sadd.s32 $0x10, s10  }
0x1d7: {  	[hbm4b:s23+s4] =	stream.linear.scatter [tilespmem:s11], [sflag:$0x7], $0x80, $0x38;
	[tilespmem:$0x13C00] =	vst v63  }
0x1d8: {  	s11 =	sadd.s32 $0xC710, s16;
	s23 =	sadd.s32 $0x20, s10  }
0x1d9: {  	[hbm4b:s23+s4] =	stream.linear.scatter [tilespmem:s11], [sflag:$0x7], $0x80, $0x38;
	[tilespmem:$0x13C00] =	vst v63  }
0x1da: {  	s11 =	sadd.s32 $0xC798, s16;
	s23 =	sadd.s32 $0x30, s10  }
0x1db: {  	[hbm4b:s23+s4] =	stream.linear.scatter [tilespmem:s11], [sflag:$0x7], $0x80, $0x38;
	[tilespmem:$0x13C00] =	vst v63  }
0x1dc: {  	s11 =	sadd.s32 $0xC820, s16;
	s23 =	sadd.s32 $0x40, s10  }
0x1dd: {  	[hbm4b:s23+s4] =	stream.linear.scatter [tilespmem:s11], [sflag:$0x7], $0x80, $0x38;
	[tilespmem:$0x13C00] =	vst v63  }
.Ltmp7:
0x1de: {  	s11 =	sadd.s32 $0xC8A8, s16;
	s23 =	sadd.s32 $0x50, s10;
	(pc) =	sbr.rel @p2 .LBB2_16-.Ltmp7, $4  }
0x1df: {  	[hbm4b:s23+s4] =	stream.linear.scatter [tilespmem:s11], [sflag:$0x7], $0x80, $0x38;
	[tilespmem:$0x13C00] =	vst v63  }
0x1e0: {  	s11 =	sadd.s32 $0xC930, s16;
	s23 =	sadd.s32 $0x60, s10;
	s16 =	sadd.s32 $0xC9B8, s16  }
0x1e1: {  	[hbm4b:s23+s4] =	stream.linear.scatter [tilespmem:s11], [sflag:$0x7], $0x80, $0x38;
	[tilespmem:$0x13C00] =	vst v63  }
0x1e2: {  	s23 =	sadd.s32 $0x70, s10;
	s10 =	sadd.s32 $0x1000, s10;
	s11 =	smov.u32 s25  }
0x1e3: {  	[hbm4b:s23+s4] =	stream.linear.scatter [tilespmem:s16], [sflag:$0x7], $0x80, $0x38;
	[tilespmem:$0x13C00] =	vst v63  }
0x1e4: {  	s11 =	sadd.s32 $0xC600, s9  }
0x1e5: {  	[hbm4b:s10+s4] =	stream.linear.scatter [tilespmem:s11], [sflag:$0x7], $0x80, $0x38;
	[tilespmem:$0x13C00] =	vst v63  }
0x1e6: {  	s16 =	sadd.s32 $0xC688, s9;
	s23 =	sadd.s32 $0x10, s10  }
0x1e7: {  	[hbm4b:s23+s4] =	stream.linear.scatter [tilespmem:s16], [sflag:$0x7], $0x80, $0x38;
	[tilespmem:$0x13C00] =	vst v63  }
0x1e8: {  	s25 =	sadd.s32 $0xC710, s9;
	s31 =	sadd.s32 $0x20, s10  }
0x1e9: {  	[hbm4b:s31+s4] =	stream.linear.scatter [tilespmem:s25], [sflag:$0x7], $0x80, $0x38;
	[tilespmem:$0x13C00] =	vst v63  }
0x1ea: {  	s16 =	sadd.s32 $0xC798, s9;
	s23 =	sadd.s32 $0x30, s10  }
0x1eb: {  	[hbm4b:s23+s4] =	stream.linear.scatter [tilespmem:s16], [sflag:$0x7], $0x80, $0x38;
	[tilespmem:$0x13C00] =	vst v63  }
0x1ec: {  	s25 =	sadd.s32 $0xC820, s9;
	s31 =	sadd.s32 $0x40, s10  }
0x1ed: {  	[hbm4b:s31+s4] =	stream.linear.scatter [tilespmem:s25], [sflag:$0x7], $0x80, $0x38;
	[tilespmem:$0x13C00] =	vst v63  }
0x1ee: {  	s16 =	sadd.s32 $0xC8A8, s9;
	s23 =	sadd.s32 $0x50, s10  }
0x1ef: {  	[hbm4b:s23+s4] =	stream.linear.scatter [tilespmem:s16], [sflag:$0x7], $0x80, $0x38;
	[tilespmem:$0x13C00] =	vst v63  }
0x1f0: {  	s25 =	sadd.s32 $0xC930, s9;
	s31 =	sadd.s32 $0x60, s10  }
0x1f1: {  	[hbm4b:s31+s4] =	stream.linear.scatter [tilespmem:s25], [sflag:$0x7], $0x80, $0x38;
	[tilespmem:$0x13C00] =	vst v63  }
0x1f2: {  	s11 =	sadd.s32 $0xC9B8, s9;
	s16 =	sadd.s32 $0x70, s10  }
0x1f3: {  	[hbm4b:s16+s4] =	stream.linear.scatter [tilespmem:s11], [sflag:$0x7], $0x80, $0x38;
	[tilespmem:$0x13C00] =	vst v63  }
0x1f4: {  	_ =	swait.ge [sflag:s26], $0x2000  }
0x1f5: {  	[sflag:s26] =	ssyncset.done $0x0  }
0x1f6: {  	s9 =	simm.s32 @!p0 $0xB;
	[sflag:s26] =	ssyncadd.s32 $0xFFFFE000  }
0x1f7: {  	_ =	swait.ge @!p0 [sflag:s9], $0x80  }
0x1f8: {  	s10 =	simm.s32 @!p0 $0x100;
	[sflag:s9] =	ssyncset.done @!p0 $0x0  }
0x1f9: {  	s11 =	simm.s32 @!p0 $0x4200;
	[sflag:s9] =	ssyncadd.s32 @!p0 $0xFFFFFF80;
	s9 =	simm.s32 @!p0 $0x80  }
0x1fa: {  	[tilespmem:s11], [sflag:$0x3] =	stream.indirect.gather @!p0 [hbm4b:s5+s9], $0x40, s10, s9, $0xb8;
	[tilespmem:$0x13C00] =	vst v63  }
0x1fb: {  	s9 =	sadd.s32 @!p0 s18, s15  }
0x1fc: {  	s10 =	sshll.u32 @!p0 s9, $0x7;
	s11 =	sshll.u32 @!p0 s9, $0xA  }
0x1fd: {  	s9 =	sshll.u32 @!p0 s9, $0x2;
	s10 =	sand.u32 @!p0 $0x7FFF8000, s10;
	s11 =	sand.u32 @!p0 $0x7C00, s11  }
0x1fe: {  	s9 =	sand.u32 @!p0 $0x380, s9;
	s10 =	sor.u32 @!p0 s11, s10  }
0x1ff: {  	s9 =	sor.u32 @!p0 s9, s10  }
0x200: {  	s9 =	sshrl.u32 @!p0 s9, $0x3  }
0x201: {  	s11 =	simm.s32 @!p0 $0x180;
	s10 =	simm.s32 @!p0 $0x0;
	s9 =	sadd.s32 @!p0 s1, s9  }
0x202: {  	[tilespmem:s11], [sflag:$0xC] =	stream.linear.gather @!p0 [hbm4b:s9+s10], $0x80, $0x38;
	[tilespmem:$0x13C00] =	vst v63  }
0x203: {  	s21 =	sadd.s32 $0x3, s21;
	s9 =	simm.s32 @!p1 $0x8  }
0x204: {  	s18 =	sshrl.u32 s21, $0x5;
	_ =	swait.ge @!p1 [sflag:s9], $0x2000  }
0x205: {  	s23 =	sshll.u32 s18, $0x6;
	[sflag:s9] =	ssyncset.done @!p1 $0x0  }
0x206: {  	[sflag:s9] =	ssyncadd.s32 @!p1 $0xFFFFE000;
	s9 =	sand.u32 $0x3FFFFFC0, s23  }
0x207: {  	s25 =	simm.s32 $0x3;
	s16 =	simm.s32 $0x6280;
	v9 =	vld [tilespmem:s9+$0x10A00]  }
0x208: {  	v4 =	vmov s25;
	v7 =	vld [tilespmem:s16+$0x40]  }
0x209: {  	s31 =	simm.s32 $0x0;
	v13 =	vand.u32 $0x7F, v4  }
0x20a: {  	v4 =	vmov s31;
	v8 =	vadd.s32 v0, v13;
	v6 =	vld [tilespmem:s9+$0x10A10]  }
0x20b: {  	v12 =	vand.u32 $0x7C, v4;
	s11 =	simm.s32 $0x1;
	v10 =	vld [tilespmem:s16+$0xFFFFFF80]  }
0x20c: {  	v15 =	vadd.s32 v0, v12;
	v4 =	vmov s11;
	s23 =	simm.s32 $0x2;
	v11 =	vld [tilespmem:s16+$0xFFFFFFC0]  }
0x20d: {  	v19 =	vand.u32 $0x7D, v4;
	v14 =	vmov s23;
	v16 =	vld [tilespmem:s16+$0x0];
	v7 =	vadd.f32 v7, v9  }
0x20e: {  	v17 =	vadd.s32 v0, v19;
	v5 =	vld [tilespmem:s9+$0x10A20];
	v20 =	vand.u32 $0x7E, v14  }
0x20f: {  	v4 =	vld [tilespmem:s9+$0x10A30];
	v14 =	vadd.s32 v0, v20;
	[tilespmem:v8+s20+$0x0] =	vst.idx.msk $0xffff, v7  }
0x210: {  	v7 =	vadd.f32 v10, v9;
	v8 =	vld [tilespmem:s16+$0x50]  }
0x211: {  	v10 =	vadd.f32 v11, v9  }
0x212: {  	v11 =	vadd.s32 v1, v13;
	[tilespmem:v15+s20+$0x0] =	vst.idx.msk $0xffff, v7;
	v7 =	vadd.f32 v16, v9  }
0x213: {  	[tilespmem:v17+s20+$0x0] =	vst.idx.msk $0xffff, v10;
	v15 =	vld [tilespmem:s16+$0xFFFFFF90]  }
0x214: {  	v10 =	vld [tilespmem:s16+$0xFFFFFFD0];
	[tilespmem:v14+s20+$0x0] =	vst.idx.msk $0xffff, v7  }
0x215: {  	v14 =	vld [tilespmem:s16+$0x10];
	v7 =	vadd.f32 v8, v6  }
0x216: {  	s31 =	simm.s32 $0x7;
	s9 =	simm.s32 $0x6380;
	v16 =	vadd.s32 v1, v19  }
0x217: {  	s25 =	simm.s32 $0x4;
	v26 =	vadd.s32 v2, v13;
	v18 =	vld [tilespmem:s9+$0x40];
	v17 =	vadd.s32 v1, v20;
	[tilespmem:v11+s20+$0x0] =	vst.idx.msk $0xffff, v7;
	v7 =	vmov s31  }
0x218: {  	v21 =	vadd.s32 v1, v12;
	v8 =	vmov s25;
	v7 =	vand.u32 $0x7F, v7;
	v22 =	vld [tilespmem:s16+$0x60]  }
0x219: {  	s23 =	simm.s32 $0x5;
	v23 =	vld [tilespmem:s9+$0xFFFFFF80];
	v8 =	vand.u32 $0x7C, v8;
	v10 =	vadd.f32 v10, v6;
	v24 =	vadd.s32 v0, v7  }
0x21a: {  	v25 =	vld [tilespmem:s9+$0xFFFFFFC0];
	s25 =	simm.s32 $0x6;
	v15 =	vadd.f32 v15, v6;
	v11 =	vadd.f32 v14, v6;
	v14 =	vmov s23  }
0x21b: {  	v27 =	vadd.s32 v0, v8;
	[tilespmem:v16+s20+$0x0] =	vst.idx.msk $0xffff, v10;
	v16 =	vmov s25;
	v10 =	vand.u32 $0x7D, v14;
	v14 =	vld [tilespmem:s9+$0x0]  }
0x21c: {  	[tilespmem:v17+s20+$0x0] =	vst.idx.msk $0xffff, v11;
	v17 =	vadd.s32 v0, v10;
	v11 =	vand.u32 $0x7E, v16;
	v16 =	vadd.f32 v18, v9;
	v18 =	vld [tilespmem:s16+$0xFFFFFFE0]  }
0x21d: {  	[tilespmem:v21+s20+$0x0] =	vst.idx.msk $0xffff, v15;
	v15 =	vadd.s32 v0, v11;
	v21 =	vld [tilespmem:s16+$0x20];
	v22 =	vadd.f32 v22, v5  }
0x21e: {  	v23 =	vadd.f32 v23, v9;
	[tilespmem:v24+s20+$0x0] =	vst.idx.msk $0xffff, v16;
	v16 =	vld [tilespmem:s16+$0xFFFFFFA0];
	v24 =	vadd.s32 v2, v19  }
0x21f: {  	v29 =	vadd.s32 v2, v20;
	v25 =	vadd.f32 v25, v9;
	v28 =	vld [tilespmem:s9+$0x50];
	[tilespmem:v26+s20+$0x0] =	vst.idx.msk $0xffff, v22  }
0x220: {  	[tilespmem:v27+s20+$0x0] =	vst.idx.msk $0xffff, v23;
	v23 =	vadd.s32 v2, v12;
	v14 =	vadd.f32 v14, v9;
	v26 =	vld [tilespmem:s16+$0x70]  }
0x221: {  	v27 =	vld [tilespmem:s9+$0xFFFFFF90];
	[tilespmem:v17+s20+$0x0] =	vst.idx.msk $0xffff, v25;
	v25 =	vadd.s32 v1, v7;
	v18 =	vadd.f32 v18, v5  }
0x222: {  	v31 =	vadd.s32 v3, v13;
	v30 =	vld [tilespmem:s9+$0xFFFFFFD0];
	[tilespmem:v15+s20+$0x0] =	vst.idx.msk $0xffff, v14;
	v14 =	vadd.f32 v21, v5  }
0x223: {  	v22 =	vadd.s32 v1, v8;
	v17 =	vld [tilespmem:s9+$0x10];
	v13 =	vadd.f32 v16, v5;
	[tilespmem:v24+s20+$0x0] =	vst.idx.msk $0xffff, v18  }
0x224: {  	s11 =	simm.s32 $0x8;
	v21 =	vadd.s32 v1, v10;
	[tilespmem:v29+s20+$0x0] =	vst.idx.msk $0xffff, v14;
	v18 =	vadd.f32 v28, v6;
	v16 =	vld [tilespmem:s16+$0xFFFFFFF0]  }
0x225: {  	v24 =	vmov s11;
	v14 =	vadd.s32 v1, v11;
	v15 =	vld [tilespmem:s16+$0x30];
	[tilespmem:v23+s20+$0x0] =	vst.idx.msk $0xffff, v13;
	v63 =	vadd.f32 v26, v4  }
0x226: {  	s10 =	simm.s32 $0x6480;
	s31 =	simm.s32 $0xB;
	v19 =	vadd.s32 v3, v19;
	v13 =	vand.u32 $0x7C, v24;
	v24 =	vadd.f32 v27, v6;
	[tilespmem:v25+s20+$0x0] =	vst.idx.msk $0xffff, v18;
	v18 =	vld [tilespmem:s16+$0xFFFFFFB0]  }
0x227: {  	v20 =	vadd.s32 v3, v20;
	v26 =	vmov s31;
	v23 =	vld [tilespmem:s10+$0x40];
	s16 =	simm.s32 $0xC;
	v25 =	vadd.f32 v30, v6;
	[tilespmem:v31+s20+$0x0] =	vst.idx.msk $0xffff, v63  }
.LBB2_18:
0x228: {  	p0 =	slt.u32 s16, $0x7C;
	s23 =	sadd.s32 $0x1, s11;
	v26 =	vand.u32 $0x7F, v26;
	[tilespmem:v22+s20+$0x0] =	vst.idx.msk $0xffff, v24;
	v17 =	vadd.f32 v17, v6;
	v22 =	vld [tilespmem:s9+$0x60];
	v24 =	vadd.s32 v3, v12  }
0x229: {  	v30 =	vmovc v11;
	v27 =	vld [tilespmem:s10+$0xFFFFFF80];
	v28 =	vmov s23;
	s23 =	sadd.s32 $0x2, s11;
	v29 =	vadd.s32 v0, v26;
	[tilespmem:v21+s20+$0x0] =	vst.idx.msk $0xffff, v25;
	v16 =	vadd.f32 v16, v4;
	s11 =	smov.u32 s16  }
0x22a: {  	v12 =	vmovc v8;
	v21 =	vld [tilespmem:s10+$0xFFFFFFC0];
	v11 =	vmov s23;
	[tilespmem:v14+s20+$0x0] =	vst.idx.msk $0xffff, v17;
	v14 =	vadd.s32 v2, v7;
	v15 =	vadd.f32 v15, v4  }
0x22b: {  	v17 =	vadd.s32 v0, v13;
	v28 =	vand.u32 $0x7D, v28;
	v25 =	vld [tilespmem:s10+$0x0];
	v31 =	vadd.f32 v18, v4;
	[tilespmem:v19+s20+$0x0] =	vst.idx.msk $0xffff, v16  }
0x22c: {  	v16 =	vadd.s32 v0, v28;
	v11 =	vand.u32 $0x7E, v11;
	v18 =	vadd.f32 v23, v9;
	v19 =	vld [tilespmem:s9+$0xFFFFFFE0];
	[tilespmem:v20+s20+$0x0] =	vst.idx.msk $0xffff, v15  }
0x22d: {  	v8 =	vmov v13;
	v15 =	vadd.s32 v0, v11;
	v20 =	vld [tilespmem:s9+$0x20];
	v22 =	vadd.f32 v22, v5;
	[tilespmem:v24+s20+$0x0] =	vst.idx.msk $0xffff, v31  }
0x22e: {  	v23 =	vadd.s32 v2, v10;
	v13 =	vadd.f32 v27, v9;
	[tilespmem:v29+s20+$0x0] =	vst.idx.msk $0xffff, v18;
	v18 =	vld [tilespmem:s9+$0xFFFFFFA0]  }
0x22f: {  	v27 =	vadd.s32 v2, v30;
	v21 =	vadd.f32 v21, v9;
	v24 =	vld [tilespmem:s10+$0x50];
	[tilespmem:v14+s20+$0x0] =	vst.idx.msk $0xffff, v22  }
0x230: {  	[tilespmem:v17+s20+$0x0] =	vst.idx.msk $0xffff, v13;
	v13 =	vadd.f32 v25, v9;
	v25 =	vadd.s32 v2, v12;
	v29 =	vld [tilespmem:s9+$0x70]  }
0x231: {  	v32 =	vadd.s32 v1, v26;
	v31 =	vld [tilespmem:s10+$0xFFFFFF90];
	[tilespmem:v16+s20+$0x0] =	vst.idx.msk $0xffff, v21;
	v14 =	vadd.f32 v19, v5  }
0x232: {  	v34 =	vadd.s32 v3, v7;
	v7 =	vmov v26;
	v33 =	vld [tilespmem:s10+$0xFFFFFFD0];
	[tilespmem:v15+s20+$0x0] =	vst.idx.msk $0xffff, v13;
	v13 =	vadd.f32 v20, v5  }
.Ltmp8:
0x233: {  	v22 =	vadd.s32 v1, v8;
	v17 =	vld [tilespmem:s10+$0x10];
	v15 =	vadd.f32 v18, v5;
	[tilespmem:v23+s20+$0x0] =	vst.idx.msk $0xffff, v14;
	(pc) =	sbr.rel @p0 .LBB2_18-.Ltmp8, $4  }
0x234: {  	v21 =	vadd.s32 v1, v28;
	v18 =	vadd.f32 v24, v6;
	v16 =	vld [tilespmem:s9+$0xFFFFFFF0];
	[tilespmem:v27+s20+$0x0] =	vst.idx.msk $0xffff, v13  }
0x235: {  	v14 =	vadd.s32 v1, v11;
	v13 =	vmov s16;
	[tilespmem:v25+s20+$0x0] =	vst.idx.msk $0xffff, v15;
	v15 =	vld [tilespmem:s9+$0x30];
	v27 =	vadd.f32 v29, v4  }
0x236: {  	s23 =	sadd.s32 $0x3, s16;
	v19 =	vadd.s32 v3, v10;
	v13 =	vand.u32 $0x7C, v13;
	v24 =	vadd.f32 v31, v6;
	[tilespmem:v32+s20+$0x0] =	vst.idx.msk $0xffff, v18;
	v18 =	vld [tilespmem:s9+$0xFFFFFFB0];
	s9 =	smov.u32 s10;
	s10 =	sadd.s32 $0x100, s10  }
0x237: {  	v26 =	vmov s23;
	v10 =	vmovc v28;
	v20 =	vadd.s32 v3, v30;
	s16 =	sadd.s32 $0x4, s16;
	v23 =	vld [tilespmem:s10+$0x40];
	v25 =	vadd.f32 v33, v6;
	[tilespmem:v34+s20+$0x0] =	vst.idx.msk $0xffff, v27  }
0x238: {  	s16 =	sadd.s32 $0x1, s11  }
0x239: {  	v26 =	vand.u32 $0x7F, v26;
	s23 =	sadd.s32 $0x2, s11;
	v28 =	vld [tilespmem:s10+$0xFFFFFFC0];
	v27 =	vmov s16  }
0x23a: {  	v31 =	vld [tilespmem:s10+$0x0];
	v29 =	vadd.s32 v0, v26;
	v30 =	vmov s23;
	v27 =	vand.u32 $0x7D, v27  }
0x23b: {  	v32 =	vld [tilespmem:s10+$0xFFFFFF80];
	v30 =	vand.u32 $0x7E, v30;
	v33 =	vadd.s32 v0, v27  }
0x23c: {  	v34 =	vadd.s32 v0, v30  }
0x23d: {  	[tilespmem:v22+s20+$0x0] =	vst.idx.msk $0xffff, v24;
	v44 =	vadd.s32 v0, v13;
	v23 =	vadd.f32 v23, v9  }
0x23e: {  	[tilespmem:v21+s20+$0x0] =	vst.idx.msk $0xffff, v25;
	v45 =	vadd.f32 v28, v9  }
0x23f: {  	v46 =	vadd.f32 v31, v9;
	[tilespmem:v29+s20+$0x0] =	vst.idx.msk $0xffff, v23  }
0x240: {  	v47 =	vadd.f32 v32, v9;
	v48 =	vld [tilespmem:s10+$0x50];
	[tilespmem:v33+s20+$0x0] =	vst.idx.msk $0xffff, v45  }
0x241: {  	v17 =	vadd.f32 v17, v6;
	v12 =	vadd.s32 v3, v12;
	[tilespmem:v34+s20+$0x0] =	vst.idx.msk $0xffff, v46;
	v21 =	vld [tilespmem:s10+$0xFFFFFFD0]  }
0x242: {  	v16 =	vadd.f32 v16, v4;
	v49 =	vadd.s32 v1, v26;
	[tilespmem:v44+s20+$0x0] =	vst.idx.msk $0xffff, v47;
	v50 =	vld [tilespmem:s10+$0x10]  }
0x243: {  	[tilespmem:v14+s20+$0x0] =	vst.idx.msk $0xffff, v17;
	v51 =	vadd.f32 v15, v4;
	v53 =	vadd.s32 v1, v27;
	v52 =	vld [tilespmem:s10+$0xFFFFFF90]  }
0x244: {  	v54 =	vld [tilespmem:s9+$0x60];
	v18 =	vadd.f32 v18, v4;
	[tilespmem:v19+s20+$0x0] =	vst.idx.msk $0xffff, v16;
	v55 =	vadd.s32 v1, v30  }
0x245: {  	v57 =	vadd.s32 v1, v13;
	v60 =	vld [tilespmem:s9+$0x20];
	[tilespmem:v20+s20+$0x0] =	vst.idx.msk $0xffff, v51;
	v58 =	vadd.f32 v48, v6  }
0x246: {  	v59 =	vadd.s32 v2, v7;
	v56 =	vld [tilespmem:s9+$0xFFFFFFE0];
	[tilespmem:v12+s20+$0x0] =	vst.idx.msk $0xffff, v18;
	v61 =	vadd.f32 v21, v6  }
0x247: {  	v62 =	vld [tilespmem:s9+$0xFFFFFFA0];
	v29 =	vadd.s32 v2, v11;
	[tilespmem:v49+s20+$0x0] =	vst.idx.msk $0xffff, v58;
	v28 =	vadd.f32 v50, v6  }
0x248: {  	v63 =	vadd.s32 v2, v10;
	v31 =	vadd.f32 v52, v6;
	v32 =	vld [tilespmem:s10+$0x60];
	[tilespmem:v53+s20+$0x0] =	vst.idx.msk $0xffff, v61  }
0x249: {  	v33 =	vadd.f32 v54, v5;
	v34 =	vadd.s32 v2, v8;
	[tilespmem:v55+s20+$0x0] =	vst.idx.msk $0xffff, v28;
	v35 =	vld [tilespmem:s10+$0xFFFFFFE0]  }
0x24a: {  	v37 =	vadd.s32 v2, v26;
	v39 =	vadd.f32 v60, v5;
	[tilespmem:v57+s20+$0x0] =	vst.idx.msk $0xffff, v31;
	v38 =	vld [tilespmem:s10+$0x20]  }
0x24b: {  	v41 =	vadd.s32 v2, v27;
	v36 =	vadd.f32 v56, v5;
	[tilespmem:v59+s20+$0x0] =	vst.idx.msk $0xffff, v33;
	v40 =	vld [tilespmem:s10+$0xFFFFFFA0]  }
0x24c: {  	v43 =	vadd.s32 v2, v30;
	v18 =	vadd.f32 v62, v5;
	v42 =	vld [tilespmem:s9+$0x70];
	[tilespmem:v29+s20+$0x0] =	vst.idx.msk $0xffff, v39  }
0x24d: {  	v45 =	vadd.s32 v2, v13;
	[tilespmem:v63+s20+$0x0] =	vst.idx.msk $0xffff, v36;
	v47 =	vld [tilespmem:s9+$0x30];
	v44 =	vadd.f32 v32, v5  }
0x24e: {  	v46 =	vadd.s32 v3, v7;
	[tilespmem:v34+s20+$0x0] =	vst.idx.msk $0xffff, v18;
	v21 =	vld [tilespmem:s9+$0xFFFFFFF0];
	v9 =	vadd.f32 v35, v5  }
0x24f: {  	v18 =	vld [tilespmem:s9+$0xFFFFFFB0];
	v50 =	vadd.s32 v3, v11;
	[tilespmem:v37+s20+$0x0] =	vst.idx.msk $0xffff, v44;
	v49 =	vadd.f32 v38, v5  }
0x250: {  	v48 =	vadd.s32 v3, v10;
	v5 =	vadd.f32 v40, v5;
	v12 =	vld [tilespmem:s10+$0x70];
	[tilespmem:v41+s20+$0x0] =	vst.idx.msk $0xffff, v9  }
0x251: {  	v52 =	vadd.s32 v3, v8;
	v51 =	vadd.f32 v42, v4;
	[tilespmem:v43+s20+$0x0] =	vst.idx.msk $0xffff, v49;
	v53 =	vld [tilespmem:s10+$0xFFFFFFF0]  }
0x252: {  	v55 =	vadd.s32 v3, v26;
	v56 =	vadd.f32 v47, v4;
	[tilespmem:v45+s20+$0x0] =	vst.idx.msk $0xffff, v5;
	v5 =	vld [tilespmem:s10+$0x30]  }
0x253: {  	v58 =	vadd.s32 v3, v27;
	[tilespmem:v46+s20+$0x0] =	vst.idx.msk $0xffff, v51;
	v54 =	vadd.f32 v21, v4;
	v57 =	vld [tilespmem:s10+$0xFFFFFFB0]  }
0x254: {  	v60 =	vadd.s32 v3, v30;
	v59 =	vadd.f32 v18, v4;
	[tilespmem:v50+s20+$0x0] =	vst.idx.msk $0xffff, v56  }
0x255: {  	v62 =	vadd.s32 v3, v13;
	[tilespmem:v48+s20+$0x0] =	vst.idx.msk $0xffff, v54;
	v61 =	vadd.f32 v12, v4  }
0x256: {  	[tilespmem:v52+s20+$0x0] =	vst.idx.msk $0xffff, v59;
	v63 =	vadd.f32 v53, v4  }
0x257: {  	s25 =	sshll.u32 s21, $0x7;
	[tilespmem:v55+s20+$0x0] =	vst.idx.msk $0xffff, v61;
	v5 =	vadd.f32 v5, v4  }
0x258: {  	s9 =	sand.u32 $0xF80, s25;
	v4 =	vadd.f32 v57, v4;
	[tilespmem:v58+s20+$0x0] =	vst.idx.msk $0xffff, v63  }
0x259: {  	s31 =	sshll.u32 s18, $0xF;
	s9 =	sadd.s32 s3, s9;
	[tilespmem:v60+s20+$0x0] =	vst.idx.msk $0xffff, v5  }
0x25a: {  	s11 =	simm.s32 $0xE800;
	s10 =	sadd.s32 s31, s9;
	[tilespmem:v62+s20+$0x0] =	vst.idx.msk $0xffff, v4  }
0x25b: {  	[hbm4b:s10+s4] =	stream.linear.scatter [tilespmem:s11], [sflag:$0x8], $0x80, $0x38;
	[tilespmem:$0x13C00] =	vst v63  }
0x25c: {  	s16 =	simm.s32 $0xE888;
	s18 =	sadd.s32 $0x10, s10  }
0x25d: {  	[hbm4b:s18+s4] =	stream.linear.scatter [tilespmem:s16], [sflag:$0x8], $0x80, $0x38;
	[tilespmem:$0x13C00] =	vst v63  }
0x25e: {  	s21 =	simm.s32 $0xE910;
	s25 =	simm.s32 $0xE998;
	s23 =	sadd.s32 $0x20, s10  }
0x25f: {  	[hbm4b:s23+s4] =	stream.linear.scatter [tilespmem:s21], [sflag:$0x8], $0x80, $0x38;
	[tilespmem:$0x13C00] =	vst v63  }
0x260: {  	s9 =	simm.s32 $0x440;
	s31 =	sadd.s32 $0x30, s10;
	s11 =	simm.s32 $0x2200  }
0x261: {  	[hbm4b:s31+s4] =	stream.linear.scatter [tilespmem:s25], [sflag:$0x8], $0x80, $0x38;
	[tilespmem:$0x13C00] =	vst v63  }
0x262: {  	s16 =	simm.s32 $0xEA20;
	s18 =	sadd.s32 $0x40, s10;
	s21 =	simm.s32 $0xEAA8  }
0x263: {  	[hbm4b:s18+s4] =	stream.linear.scatter [tilespmem:s16], [sflag:$0x8], $0x80, $0x38;
	[tilespmem:$0x13C00] =	vst v63  }
0x264: {  	s23 =	sadd.s32 $0x50, s10;
	s25 =	simm.s32 $0xEB30;
	s31 =	sadd.s32 $0x60, s10  }
0x265: {  	[hbm4b:s23+s4] =	stream.linear.scatter [tilespmem:s21], [sflag:$0x8], $0x80, $0x38;
	[tilespmem:$0x13C00] =	vst v63  }
0x266: {  	s16 =	simm.s32 $0xEBB8;
	s18 =	sadd.s32 $0x70, s10;
	s10 =	sadd.s32 $0x1000, s10  }
0x267: {  	[hbm4b:s31+s4] =	stream.linear.scatter [tilespmem:s25], [sflag:$0x8], $0x80, $0x38;
	[tilespmem:$0x13C00] =	vst v63  }
.LBB2_20:
0x268: {  	[hbm4b:s18+s4] =	stream.linear.scatter [tilespmem:s16], [sflag:$0x8], $0x80, $0x38;
	[tilespmem:$0x13C00] =	vst v63  }
0x269: {  	s16 =	smov.u32 s9;
	s9 =	smov.u32 s11  }
0x26a: {  	s21 =	sadd.s32 $0x1100, s11;
	s9 =	sshra.s32 s9, $0x2;
	s18 =	sadd.s32 $0xE800, s16  }
0x26b: {  	[hbm4b:s10+s4] =	stream.linear.scatter [tilespmem:s18], [sflag:$0x8], $0x80, $0x38;
	[tilespmem:$0x13C00] =	vst v63  }
0x26c: {  	p0 =	sne.s32 s11, $0x7700;
	s11 =	sadd.s32 $0xE888, s16;
	s18 =	sadd.s32 $0x10, s10  }
0x26d: {  	[hbm4b:s18+s4] =	stream.linear.scatter [tilespmem:s11], [sflag:$0x8], $0x80, $0x38;
	[tilespmem:$0x13C00] =	vst v63  }
0x26e: {  	s11 =	sadd.s32 $0xE910, s16;
	s18 =	sadd.s32 $0x20, s10  }
0x26f: {  	[hbm4b:s18+s4] =	stream.linear.scatter [tilespmem:s11], [sflag:$0x8], $0x80, $0x38;
	[tilespmem:$0x13C00] =	vst v63  }
0x270: {  	s11 =	sadd.s32 $0xE998, s16;
	s18 =	sadd.s32 $0x30, s10  }
0x271: {  	[hbm4b:s18+s4] =	stream.linear.scatter [tilespmem:s11], [sflag:$0x8], $0x80, $0x38;
	[tilespmem:$0x13C00] =	vst v63  }
0x272: {  	s11 =	sadd.s32 $0xEA20, s16;
	s18 =	sadd.s32 $0x40, s10  }
0x273: {  	[hbm4b:s18+s4] =	stream.linear.scatter [tilespmem:s11], [sflag:$0x8], $0x80, $0x38;
	[tilespmem:$0x13C00] =	vst v63  }
.Ltmp9:
0x274: {  	s11 =	sadd.s32 $0xEAA8, s16;
	s18 =	sadd.s32 $0x50, s10;
	(pc) =	sbr.rel @p0 .LBB2_20-.Ltmp9, $4  }
0x275: {  	[hbm4b:s18+s4] =	stream.linear.scatter [tilespmem:s11], [sflag:$0x8], $0x80, $0x38;
	[tilespmem:$0x13C00] =	vst v63  }
0x276: {  	s11 =	sadd.s32 $0xEB30, s16;
	s18 =	sadd.s32 $0x60, s10;
	s16 =	sadd.s32 $0xEBB8, s16  }
0x277: {  	[hbm4b:s18+s4] =	stream.linear.scatter [tilespmem:s11], [sflag:$0x8], $0x80, $0x38;
	[tilespmem:$0x13C00] =	vst v63  }
0x278: {  	s18 =	sadd.s32 $0x70, s10;
	s10 =	sadd.s32 $0x1000, s10;
	s11 =	smov.u32 s21  }
0x279: {  	[hbm4b:s18+s4] =	stream.linear.scatter [tilespmem:s16], [sflag:$0x8], $0x80, $0x38;
	[tilespmem:$0x13C00] =	vst v63  }
0x27a: {  	s11 =	sadd.s32 $0xE800, s9  }
0x27b: {  	[hbm4b:s10+s4] =	stream.linear.scatter [tilespmem:s11], [sflag:$0x8], $0x80, $0x38;
	[tilespmem:$0x13C00] =	vst v63  }
0x27c: {  	s25 =	sadd.s32 $0xE888, s9;
	s31 =	sadd.s32 $0x10, s10  }
0x27d: {  	[hbm4b:s31+s4] =	stream.linear.scatter [tilespmem:s25], [sflag:$0x8], $0x80, $0x38;
	[tilespmem:$0x13C00] =	vst v63  }
0x27e: {  	s16 =	sadd.s32 $0xE910, s9;
	s18 =	sadd.s32 $0x20, s10  }
0x27f: {  	[hbm4b:s18+s4] =	stream.linear.scatter [tilespmem:s16], [sflag:$0x8], $0x80, $0x38;
	[tilespmem:$0x13C00] =	vst v63  }
0x280: {  	s21 =	sadd.s32 $0xE998, s9;
	s23 =	sadd.s32 $0x30, s10  }
0x281: {  	[hbm4b:s23+s4] =	stream.linear.scatter [tilespmem:s21], [sflag:$0x8], $0x80, $0x38;
	[tilespmem:$0x13C00] =	vst v63  }
0x282: {  	s7 =	sadd.s32 $0x1, s7;
	s25 =	sadd.s32 $0xEA20, s9;
	s31 =	sadd.s32 $0x40, s10  }
0x283: {  	[hbm4b:s31+s4] =	stream.linear.scatter [tilespmem:s25], [sflag:$0x8], $0x80, $0x38;
	[tilespmem:$0x13C00] =	vst v63  }
0x284: {  	p0 =	sne.s32 s7, $0x32;
	s16 =	sadd.s32 $0xEAA8, s9;
	s18 =	sadd.s32 $0x50, s10  }
0x285: {  	[hbm4b:s18+s4] =	stream.linear.scatter [tilespmem:s16], [sflag:$0x8], $0x80, $0x38;
	[tilespmem:$0x13C00] =	vst v63  }
.Ltmp10:
0x286: {  	_ = 	snop;
	(pc) =	sbr.rel @p0 .LBB2_2-.Ltmp10, $4  }
0x287: {  	s21 =	sadd.s32 $0xEB30, s9;
	s23 =	sadd.s32 $0x60, s10  }
0x288: {  	[hbm4b:s23+s4] =	stream.linear.scatter [tilespmem:s21], [sflag:$0x8], $0x80, $0x38;
	[tilespmem:$0x13C00] =	vst v63  }
0x289: {  	s25 =	sadd.s32 $0xEBB8, s9;
	s31 =	sadd.s32 $0x70, s10  }
0x28a: {  	[hbm4b:s31+s4] =	stream.linear.scatter [tilespmem:s25], [sflag:$0x8], $0x80, $0x38;
	[tilespmem:$0x13C00] =	vst v63  }
0x28b: {  	_ =	swait.ge [sflag:s8], $0x2000  }
0x28c: {  	[sflag:s8] =	ssyncset.done $0x0  }
0x28d: {  	s7 =	simm.s32 $0x6;
	[sflag:s8] =	ssyncadd.s32 $0xFFFFE000  }
0x28e: {  	_ =	swait.ge [sflag:s7], $0x2000  }
0x28f: {  	[sflag:s7] =	ssyncset.done $0x0  }
0x290: {  	s25 =	simm.s32 $0x7;
	[sflag:s7] =	ssyncadd.s32 $0xFFFFE000  }
0x291: {  	_ =	swait.ge [sflag:s25], $0x2000  }
0x292: {  	[sflag:s25] =	ssyncset.done $0x0  }
0x293: {  	s9 =	simm.s32 $0x8;
	[sflag:s25] =	ssyncadd.s32 $0xFFFFE000  }
0x294: {  	_ =	swait.ge [sflag:s9], $0x2000  }
0x295: {  	s10 =	rddreg [dreg:$0xa]  }
0x296: {  	s31 =	rddreg [dreg:$0x9];
	s10 =	sadd.s32 $0x1, s10  }
0x297: {  	p0 =	sne.s32 s10, s31  }
.Ltmp11:
0x298: {  	_ = 	snop;
	(pc) =	sbr.rel @p0 .LBB2_1-.Ltmp11, $3  }
0x299: {  	_ =	sdelay $0x1  }
0x29a: {  	[sflag:s9] =	ssyncset.done $0x0  }
0x29b: {  	[sflag:s9] =	ssyncadd.s32 $0xFFFFE000  }
0x29c: {  	_ =	sfence.sel $0x180000  }
0x29d: {  	[bflag:$0x0] =	sbarrier.arrive $0xFFFF  }
0x29e: {  	_ =	strace $0x90000047  }
0x29f: {  	s0 =	stileid.u32;
	[bflag:$0x2] =	sbarrier.arrive $0xFFFF  }
0x2a0: {  	p0 =	sne.s32 s0, $0x0;
	s0 =	rddreg [dreg:$0x3]  }
0x2a1: {  	s0 =	sadd.s32 @!p0 $0x100000, s0  }
0x2a2: {  	[sflag:s0] =	ssyncadd.tile.s32 @!p0 $0x1;
	_ =	shalt  }
.Lfunc_end2:
_tile_overlayer_lowered:
.L_overlay_start_2:
0x2a3: {  	(tag) =	ssettag $0x2  }
0x2a4: {  	s0 =	rddreg [dreg:$0x0];
	s2 =	stileid.u32  }
0x2a5: {  	s1 =	rddreg [dreg:$0x1];
	p0 =	sne.s32 s2, $0x0  }
0x2a6: {  	s3 =	rddreg [dreg:$0x2];
	[bflag:$0x3] =	sbarrier.arrive $0xFFFF;
	s2 =	simm.s32 @!p0 $0x1C0D  }
0x2a7: {  	[timem:s3], [sflag:s2] =	dma.local @!p0 [hbm:s0], s1  }
0x2a8: {  	s0 =	simm.s32 @!p0 $0xD  }
0x2a9: {  	_ =	swait.ge @!p0 [sflag:s0], s1  }
0x2aa: {  	s1 =	ssub.s32 @!p0 $0x0, s1;
	[sflag:s0] =	ssyncset.done @!p0 $0x0  }
0x2ab: {  	[sflag:s0] =	ssyncadd.s32 @!p0 s1  }
0x2ac: {  	[bflag:$0x3] =	sbarrier.arrive $0xFFFF  }
0x2ad: {  	_ =	shalt  }

</sc_bundles>
